<compile_context>
chip_gen: v7x
topology: tpu7x:2x2x1
jax: 0.10.2.dev20260603
libtpu: 0.0.44.dev20260713+nightly
codegen_flags: <defaults>
</compile_context>

<pallas_src>
import functools

import jax
import jax.numpy as jnp
from jax import lax
from jax.experimental import pallas as pl
from jax.experimental.pallas import tpu as pltpu
from jax.experimental.pallas import tpu_sc as plsc

N = 10000
E = 320000
D = 128
L = 16

NC = 2
NS = 16

EPT = E // NS
CH = 80
NCH = EPT // CH
SS = 10
NSC = NCH // SS

RPT = 640
RPT_LAST = N - 15 * RPT
NB = 10
BN = N // NB


def _sigmoid(v):
    return 1.0 / (1.0 + jnp.exp(-v))


def _dense_body(x_ref, wl_ref, bl_ref, wlg_ref, blg_ref, wi_ref, wgi_ref,
                wo_ref, wgo_ref, xloop_ref, ain_ref, gin_ref, aout_ref,
                gout_ref):
    xb = x_ref[...]
    xl = jnp.dot(xb, wl_ref[...].T, preferred_element_type=jnp.float32) + bl_ref[...]
    gl = _sigmoid(jnp.dot(xl, wlg_ref[...], preferred_element_type=jnp.float32) + blg_ref[0, 0])
    xloop_ref[...] = gl * xl
    ai = jnp.dot(jnp.dot(xb, wi_ref[...], preferred_element_type=jnp.float32),
                 wi_ref[...], preferred_element_type=jnp.float32)
    ain_ref[...] = ai
    gin_ref[...] = jnp.dot(ai, wgi_ref[...], preferred_element_type=jnp.float32)
    ao = jnp.dot(jnp.dot(xb, wo_ref[...], preferred_element_type=jnp.float32),
                 wo_ref[...], preferred_element_type=jnp.float32)
    aout_ref[...] = ao
    gout_ref[...] = jnp.dot(ao, wgo_ref[...], preferred_element_type=jnp.float32)


def _dense(x, W_loop, b_loop, W_loop_g, b_loop_g, W_dir_in, W_dir_g_in,
           W_dir_out, W_dir_g_out):
    full = lambda shape: pl.BlockSpec(shape, lambda i: (0, 0))
    blk = lambda: pl.BlockSpec((BN, D), lambda i: (i, 0))
    nd = jax.ShapeDtypeStruct((N, D), jnp.float32)
    return pl.pallas_call(
        _dense_body,
        grid=(NB,),
        in_specs=[blk(), full((D, D)), full((1, D)), full((D, D)),
                  full((1, 1)), full((D, D)), full((D, D)), full((D, D)),
                  full((D, D))],
        out_specs=[blk(), blk(), blk(), blk(), blk()],
        out_shape=[nd, nd, nd, nd, nd],
    )(x, W_loop, b_loop.reshape(1, D), jnp.broadcast_to(W_loop_g.T, (D, D)),
      b_loop_g.reshape(1, 1), W_dir_in, jnp.broadcast_to(W_dir_g_in, (D, D)),
      W_dir_out, jnp.broadcast_to(W_dir_g_out, (D, D)))


def _edge_body(a2_hbm, g_hbm, c_hbm, b_hbm, sl_hbm, dst_hbm, znd_hbm,
               out_hbm, acc, gsp, ctab, btab, ib, dstb, gb2, sb2, gargb,
               gs0, gs1, as0, as1, ss0, ss1):
    c = lax.axis_index("c")
    s = lax.axis_index("s")
    rbase = s * RPT
    @pl.when(s < 15)
    def _():
        pltpu.sync_copy(znd_hbm.at[pl.ds(rbase, RPT)],
                        acc.at[pl.ds(rbase, RPT)])

    @pl.when(s == 15)
    def _():
        pltpu.sync_copy(znd_hbm.at[pl.ds(15 * RPT, RPT_LAST)],
                        acc.at[pl.ds(15 * RPT, RPT_LAST)])
    pltpu.sync_copy(c_hbm.at[pl.ds(c * L, L)], ctab)
    pltpu.sync_copy(b_hbm.at[c], btab)

    @pl.when(s == 0)
    def _():
        pltpu.sync_copy(g_hbm, gsp)

    plsc.subcore_barrier()

    iota16 = lax.iota(jnp.int32, 16)
    gsems = (gs0, gs1)
    asems = (as0, as1)
    ssems = (ss0, ss1)

    def gissue(i, b):
        idx = ib.at[i, pl.ds(0, CH)]
        pltpu.async_copy(a2_hbm.at[idx], gb2.at[b], gsems[b])
        pltpu.async_copy(gsp.at[idx], gargb.at[b], asems[b])

    def gwait(b):
        idx = ib.at[0, pl.ds(0, CH)]
        pltpu.make_async_copy(a2_hbm.at[idx], gb2.at[b], gsems[b]).wait()
        pltpu.make_async_copy(gsp.at[idx], gargb.at[b], asems[b]).wait()

    def sissue(i, b):
        pltpu.async_copy(sb2.at[b], acc.at[dstb.at[i]], ssems[b], add=True)

    def swait(b):
        pltpu.make_async_copy(sb2.at[b], acc.at[dstb.at[0]], ssems[b]).wait()

    def do_par(fn, b):
        @pl.when(b == 0)
        def _():
            fn(0)

        @pl.when(b == 1)
        def _():
            fn(1)

    def super_body(u, carry):
        @pl.when(u > 0)
        def _():
            swait(0)
            swait(1)

        tidx = (c * NS + s) * NSC + u
        pltpu.sync_copy(sl_hbm.at[tidx], ib)
        pltpu.sync_copy(dst_hbm.at[tidx], dstb)
        gissue(0, 0)
        gissue(1, 1)

        def step(i, carry2):
            b = i % 2
            do_par(gwait, b)

            @pl.when(i >= 2)
            def _():
                do_par(swait, b)

            def group(g, carry3):
                l16 = ib[i, pl.ds(CH + g * 16, 16)]
                garg = gargb[b, pl.ds(g * 16, 16)]
                gate = _sigmoid(garg + plsc.load_gather(ctab, [l16]))

                def edge(j):
                    jj = jnp.zeros((16,), jnp.int32) + j
                    gej = gate.at[jj].get(mode="promise_in_bounds")
                    lj = l16.at[jj].get(mode="promise_in_bounds")
                    e = g * 16 + j
                    for cb in range(8):
                        fsl = pl.ds(cb * 16, 16)
                        bia = plsc.load_gather(btab, [lj, cb * 16 + iota16])
                        sb2[b, e, fsl] = (gb2[b, e, fsl] + bia) * gej

                plsc.parallel_loop(0, 16, unroll=4)(edge)
                return carry3

            lax.fori_loop(0, CH // 16, group, 0)
            do_par(lambda bb: sissue(i, bb), b)

            @pl.when(i <= SS - 3)
            def _():
                do_par(lambda bb: gissue(i + 2, bb), b)

            return carry2

        lax.fori_loop(0, SS, step, 0)
        return carry

    lax.fori_loop(0, NSC, super_body, 0)
    swait(0)
    swait(1)
    plsc.subcore_barrier()

    @pl.when(s < 15)
    def _():
        pltpu.sync_copy(acc.at[pl.ds(rbase, RPT)],
                        out_hbm.at[c, pl.ds(rbase, RPT)])

    @pl.when(s == 15)
    def _():
        pltpu.sync_copy(acc.at[pl.ds(15 * RPT, RPT_LAST)],
                        out_hbm.at[c, pl.ds(15 * RPT, RPT_LAST)])


def _edges(a2, g_all, c_all, b_all, sl_all, dst_all, znd):
    mesh = plsc.VectorSubcoreMesh(core_axis_name="c", subcore_axis_name="s")
    f = functools.partial(
        pl.kernel,
        out_type=jax.ShapeDtypeStruct((NC, N, D), jnp.float32),
        mesh=mesh,
        scratch_types=[
            pltpu.VMEM_SHARED((N, D), jnp.float32),
            pltpu.VMEM_SHARED((2 * N,), jnp.float32),
            pltpu.VMEM((L,), jnp.float32),
            pltpu.VMEM((L, D), jnp.float32),
            pltpu.VMEM((SS, 2 * CH), jnp.int32),
            pltpu.VMEM((SS, CH), jnp.int32),
            pltpu.VMEM((2, CH, D), jnp.float32),
            pltpu.VMEM((2, CH, D), jnp.float32),
            pltpu.VMEM((2, CH), jnp.float32),
            pltpu.SemaphoreType.DMA,
            pltpu.SemaphoreType.DMA,
            pltpu.SemaphoreType.DMA,
            pltpu.SemaphoreType.DMA,
            pltpu.SemaphoreType.DMA,
            pltpu.SemaphoreType.DMA,
        ],
        compiler_params=pltpu.CompilerParams(needs_layout_passes=False),
    )(_edge_body)
    return f(a2, g_all, c_all, b_all, sl_all, dst_all, znd)


def _final_body(xl_ref, p0_ref, p1_ref, o_ref):
    o_ref[...] = jnp.maximum(xl_ref[...] + p0_ref[...] + p1_ref[...], 0.0)


def _final(x_loop, p0, p1):
    blk = pl.BlockSpec((BN, D), lambda i: (i, 0))
    return pl.pallas_call(
        _final_body,
        grid=(NB,),
        in_specs=[blk, blk, blk],
        out_specs=blk,
        out_shape=jax.ShapeDtypeStruct((N, D), jnp.float32),
    )(x_loop, p0, p1)


def kernel(x, edge_index, edge_label, W_loop, b_loop, W_loop_g, b_loop_g,
           W_dir_in, b_lab_in, W_dir_g_in, b_lab_g_in,
           W_dir_out, b_lab_out, W_dir_g_out, b_lab_g_out):
    src = edge_index[0]
    dst = edge_index[1]

    x_loop, a_in, g_in, a_out, g_out = _dense(
        x, W_loop, b_loop, W_loop_g, b_loop_g, W_dir_in, W_dir_g_in,
        W_dir_out, W_dir_g_out)

    c_in = (b_lab_in @ W_dir_g_in).reshape(L) + b_lab_g_in.reshape(L)
    c_out = (b_lab_out @ W_dir_g_out).reshape(L) + b_lab_g_out.reshape(L)

    a2 = jnp.concatenate([a_in, a_out], axis=0)
    g_all = jnp.concatenate([g_in[:, 0], g_out[:, 0]])
    c_all = jnp.concatenate([c_in, c_out])
    b_all = jnp.stack([b_lab_in, b_lab_out])
    gi = jnp.concatenate([src, dst + N])
    si = jnp.concatenate([dst, src])
    gi5 = gi.reshape(NC * NS * NSC, SS, 1, CH)
    lab5 = jnp.broadcast_to(edge_label[None], (NC, E)).reshape(
        NC * NS * NSC, SS, 1, CH)
    sl_all = jnp.concatenate([gi5, lab5], axis=2).reshape(
        NC * NS * NSC, SS, 2 * CH)
    dst_all = si.reshape(NC * NS * NSC, SS, CH)
    znd = jnp.zeros((N, D), jnp.float32)

    parts = _edges(a2, g_all, c_all, b_all, sl_all, dst_all, znd)
    return _final(x_loop, parts[0], parts[1])

# --- scband reference (transcript-rebuilt; emitter-appended) ---
"""Pipeline reference for scband-sgcnconv-30958124270115 (READ-ONLY COPY).

The authoritative reference and input builder live on the scoring server;
editing this copy changes nothing except your own understanding.
"""

import jax, jax.numpy as jnp
import numpy as np

N = 10000
E = 320000
D = 128
L = 16


def setup_inputs(seed: int = 0) -> dict:
    key = jax.random.key(seed)
    ks = jax.random.split(key, 10)
    x = jax.random.normal(ks[0], (N, D), dtype=jnp.float32)
    edge_index = jax.random.randint(ks[1], (2, E), 0, N, dtype=jnp.int32)
    edge_label = jax.random.randint(ks[2], (E,), 0, L, dtype=jnp.int32)
    # SGCNLoop params (nn.Linear(D, D) and nn.Linear(D, 1)); biases zero-init per module
    W_loop = jax.random.normal(ks[3], (D, D), dtype=jnp.float32) * 0.05
    b_loop = jnp.zeros((D,), dtype=jnp.float32)
    W_loop_g = jax.random.normal(ks[4], (1, D), dtype=jnp.float32) * 0.05
    b_loop_g = jnp.zeros((1,), dtype=jnp.float32)
    # SGCNDir (in direction)
    W_dir_in = jax.random.normal(ks[5], (D, D), dtype=jnp.float32) * 0.05
    b_lab_in = jnp.zeros((L, D), dtype=jnp.float32)
    W_dir_g_in = jax.random.normal(ks[6], (D, 1), dtype=jnp.float32) * 0.05
    b_lab_g_in = jnp.zeros((L, 1), dtype=jnp.float32)
    # SGCNDir (out direction, flipped edges)
    W_dir_out = jax.random.normal(ks[7], (D, D), dtype=jnp.float32) * 0.05
    b_lab_out = jnp.zeros((L, D), dtype=jnp.float32)
    W_dir_g_out = jax.random.normal(ks[8], (D, 1), dtype=jnp.float32) * 0.05
    b_lab_g_out = jnp.zeros((L, 1), dtype=jnp.float32)
    return {
        "x": x, "edge_index": edge_index, "edge_label": edge_label,
        "W_loop": W_loop, "b_loop": b_loop, "W_loop_g": W_loop_g, "b_loop_g": b_loop_g,
        "W_dir_in": W_dir_in, "b_lab_in": b_lab_in, "W_dir_g_in": W_dir_g_in, "b_lab_g_in": b_lab_g_in,
        "W_dir_out": W_dir_out, "b_lab_out": b_lab_out, "W_dir_g_out": W_dir_g_out, "b_lab_g_out": b_lab_g_out,
    }


def _sgcn_dir(x, src, dst, lab, W_dir, b_lab, W_dir_g, b_lab_g):
    # forward(): x = x @ W_dir, then message(): x_j = (x_t)[src] @ W_dir + b_lab[lab]
    xt = x @ W_dir
    b = b_lab[lab]
    bg = b_lab_g[lab]
    xj = xt[src] @ W_dir + b
    gate = jax.nn.sigmoid(xj @ W_dir_g + bg)
    xj = gate * xj
    # aggr='add' at destination nodes
    return jax.ops.segment_sum(xj, dst, num_segments=x.shape[0])


def reference(x, edge_index, edge_label,
              W_loop, b_loop, W_loop_g, b_loop_g,
              W_dir_in, b_lab_in, W_dir_g_in, b_lab_g_in,
              W_dir_out, b_lab_out, W_dir_g_out, b_lab_g_out):
    # SGCNLoop with gating
    x_loop = x @ W_loop.T + b_loop
    gate = jax.nn.sigmoid(x_loop @ W_loop_g.T + b_loop_g)
    x_loop = gate * x_loop
    src = edge_index[0]
    dst = edge_index[1]
    # conv_in: messages flow src -> dst
    x_in = _sgcn_dir(x, src, dst, edge_label, W_dir_in, b_lab_in, W_dir_g_in, b_lab_g_in)
    # conv_out: edge_index flipped along dim -2 (rows swapped)
    x_out = _sgcn_dir(x, dst, src, edge_label, W_dir_out, b_lab_out, W_dir_g_out, b_lab_g_out)
    return jax.nn.relu(x_loop + x_in + x_out)

if __name__ == "__main__":
    import jax
    _d = setup_inputs()
    print(jax.jit(kernel)(*tuple(_d.values())))

</pallas_src>

<mosaic_0001>
#map = affine_map<(d0, d1) -> (0, 0)>
#map1 = affine_map<(d0, d1) -> (0)>
#map2 = affine_map<(d0, d1) -> (0, 0, 0)>
module attributes {stable_mosaic.version = 14 : i64} {
  func.func @_edge_body(%arg0: i32, %arg1: i32, %arg2: memref<20000x128xf32, #tpu.memory_space<hbm>>, %arg3: memref<20000xf32, #tpu.memory_space<hbm>>, %arg4: memref<32xf32, #tpu.memory_space<hbm>>, %arg5: memref<2x16x128xf32, #tpu.memory_space<hbm>>, %arg6: memref<800x10x160xi32, #tpu.memory_space<hbm>>, %arg7: memref<800x10x80xi32, #tpu.memory_space<hbm>>, %arg8: memref<10000x128xf32, #tpu.memory_space<hbm>>, %arg9: memref<2x10000x128xf32, #tpu.memory_space<hbm>>, %arg10: memref<10000x128xf32, #tpu.memory_space<vmem_shared>>, %arg11: memref<20000xf32, #tpu.memory_space<vmem_shared>>, %arg12: memref<16xf32, #tpu.memory_space<vmem>>, %arg13: memref<16x128xf32, #tpu.memory_space<vmem>>, %arg14: memref<10x160xi32, #tpu.memory_space<vmem>>, %arg15: memref<10x80xi32, #tpu.memory_space<vmem>>, %arg16: memref<2x80x128xf32, #tpu.memory_space<vmem>>, %arg17: memref<2x80x128xf32, #tpu.memory_space<vmem>>, %arg18: memref<2x80xf32, #tpu.memory_space<vmem>>, %arg19: memref<!tpu.dma_semaphore, #tpu.memory_space<semaphore_mem>>, %arg20: memref<!tpu.dma_semaphore, #tpu.memory_space<semaphore_mem>>, %arg21: memref<!tpu.dma_semaphore, #tpu.memory_space<semaphore_mem>>, %arg22: memref<!tpu.dma_semaphore, #tpu.memory_space<semaphore_mem>>, %arg23: memref<!tpu.dma_semaphore, #tpu.memory_space<semaphore_mem>>, %arg24: memref<!tpu.dma_semaphore, #tpu.memory_space<semaphore_mem>>) attributes {dimension_semantics = [#tpu.dimension_semantics<core_parallel>, #tpu.dimension_semantics<subcore_parallel>], iteration_bounds = array<i64: 2, 16>, scalar_prefetch = 0 : i64, scratch_operands = 15 : i64, tpu.core_type = #tpu.core_type<sc_vector_subcore>, window_params = [{transform_indices = #map}, {transform_indices = #map1}, {transform_indices = #map1}, {transform_indices = #map2}, {transform_indices = #map2}, {transform_indices = #map2}, {transform_indices = #map}, {transform_indices = #map2}]} {
    %mul3A = arith.constant 640 : i32
    %mul3A_0 = arith.muli %arg1, %mul3A : i32
    %lt3A = arith.constant 15 : i32
    %lt3A_1 = arith.cmpi slt, %arg1, %lt3A : i32
    %convert_element_type3A = arith.extui %lt3A_1 : i1 to i32
    %cond3A = arith.constant 0 : i32
    %cond3A_2 = arith.cmpi ne, %convert_element_type3A, %cond3A : i32
    scf.if %cond3A_2 {
      "tpu.region"() ({
        %run_scoped3A = tpu.sem_alloc : memref<!tpu.dma_semaphore, #tpu.memory_space<semaphore_mem>>
        %dma_start3A = arith.constant 0 : i32
        %dma_start3A_53 = tpu.memref_slice %arg10[%mul3A_0, %dma_start3A] : memref<10000x128xf32, #tpu.memory_space<vmem_shared>> -> memref<640x128xf32, #tpu.memory_space<vmem_shared>>
        %dma_start3A_54 = arith.constant 0 : i32
        %dma_start3A_55 = tpu.memref_slice %arg8[%mul3A_0, %dma_start3A_54] : memref<10000x128xf32, #tpu.memory_space<hbm>> -> memref<640x128xf32, #tpu.memory_space<hbm>>
        tpu.enqueue_dma source(%dma_start3A_55 : memref<640x128xf32, #tpu.memory_space<hbm>>) target(%dma_start3A_53 : memref<640x128xf32, #tpu.memory_space<vmem_shared>>) target_semaphore(%run_scoped3A : memref<!tpu.dma_semaphore, #tpu.memory_space<semaphore_mem>>)
        %dma_wait3A_56 = arith.constant 0 : i32
        %dma_wait3A_57 = tpu.memref_slice %arg10[%mul3A_0, %dma_wait3A_56] : memref<10000x128xf32, #tpu.memory_space<vmem_shared>> -> memref<640x128xf32, #tpu.memory_space<vmem_shared>>
        %dma_wait3A_58 = arith.constant 0 : i32
        %dma_wait3A_59 = tpu.memref_slice %arg8[%mul3A_0, %dma_wait3A_58] : memref<10000x128xf32, #tpu.memory_space<hbm>> -> memref<640x128xf32, #tpu.memory_space<hbm>>
        tpu.wait_dma2 semaphore(%run_scoped3A : memref<!tpu.dma_semaphore, #tpu.memory_space<semaphore_mem>>) src(%dma_wait3A_59 : memref<640x128xf32, #tpu.memory_space<hbm>>) dst(%dma_wait3A_57 : memref<640x128xf32, #tpu.memory_space<vmem_shared>>)
        tpu.yield
      }) : () -> ()
    } else {
    }
    %eq3A = arith.constant 15 : i32
    %eq3A_3 = arith.cmpi eq, %arg1, %eq3A : i32
    %convert_element_type3A_4 = arith.extui %eq3A_3 : i1 to i32
    %cond3A_5 = arith.constant 0 : i32
    %cond3A_6 = arith.cmpi ne, %convert_element_type3A_4, %cond3A_5 : i32
    scf.if %cond3A_6 {
      "tpu.region"() ({
        %run_scoped3A = tpu.sem_alloc : memref<!tpu.dma_semaphore, #tpu.memory_space<semaphore_mem>>
        %dma_start3A = arith.constant 9600 : i32
        %dma_start3A_53 = arith.constant 0 : i32
        %dma_start3A_54 = tpu.memref_slice %arg10[%dma_start3A, %dma_start3A_53] : memref<10000x128xf32, #tpu.memory_space<vmem_shared>> -> memref<400x128xf32, #tpu.memory_space<vmem_shared>>
        %dma_start3A_55 = arith.constant 9600 : i32
        %dma_start3A_56 = arith.constant 0 : i32
        %dma_start3A_57 = tpu.memref_slice %arg8[%dma_start3A_55, %dma_start3A_56] : memref<10000x128xf32, #tpu.memory_space<hbm>> -> memref<400x128xf32, #tpu.memory_space<hbm>>
        tpu.enqueue_dma source(%dma_start3A_57 : memref<400x128xf32, #tpu.memory_space<hbm>>) target(%dma_start3A_54 : memref<400x128xf32, #tpu.memory_space<vmem_shared>>) target_semaphore(%run_scoped3A : memref<!tpu.dma_semaphore, #tpu.memory_space<semaphore_mem>>)
        %dma_wait3A_58 = arith.constant 9600 : i32
        %dma_wait3A_59 = arith.constant 0 : i32
        %dma_wait3A_60 = tpu.memref_slice %arg10[%dma_wait3A_58, %dma_wait3A_59] : memref<10000x128xf32, #tpu.memory_space<vmem_shared>> -> memref<400x128xf32, #tpu.memory_space<vmem_shared>>
        %dma_wait3A_61 = arith.constant 9600 : i32
        %dma_wait3A_62 = arith.constant 0 : i32
        %dma_wait3A_63 = tpu.memref_slice %arg8[%dma_wait3A_61, %dma_wait3A_62] : memref<10000x128xf32, #tpu.memory_space<hbm>> -> memref<400x128xf32, #tpu.memory_space<hbm>>
        tpu.wait_dma2 semaphore(%run_scoped3A : memref<!tpu.dma_semaphore, #tpu.memory_space<semaphore_mem>>) src(%dma_wait3A_63 : memref<400x128xf32, #tpu.memory_space<hbm>>) dst(%dma_wait3A_60 : memref<400x128xf32, #tpu.memory_space<vmem_shared>>)
        tpu.yield
      }) : () -> ()
    } else {
    }
    %mul3A_7 = arith.constant 16 : i32
    %mul3A_8 = arith.muli %arg0, %mul3A_7 : i32
    "tpu.region"() ({
      %run_scoped3A = tpu.sem_alloc : memref<!tpu.dma_semaphore, #tpu.memory_space<semaphore_mem>>
      %dma_start3A = tpu.memref_slice %arg4[%mul3A_8] : memref<32xf32, #tpu.memory_space<hbm>> -> memref<16xf32, #tpu.memory_space<hbm>>
      %dma_start3A_53 = tpu.memref_slice %arg4[%mul3A_8] : memref<32xf32, #tpu.memory_space<hbm>> -> memref<16xf32, #tpu.memory_space<hbm>>
      tpu.enqueue_dma source(%dma_start3A_53 : memref<16xf32, #tpu.memory_space<hbm>>) target(%arg12 : memref<16xf32, #tpu.memory_space<vmem>>) target_semaphore(%run_scoped3A : memref<!tpu.dma_semaphore, #tpu.memory_space<semaphore_mem>>)
      %dma_wait3A_54 = tpu.memref_slice %arg4[%mul3A_8] : memref<32xf32, #tpu.memory_space<hbm>> -> memref<16xf32, #tpu.memory_space<hbm>>
      %dma_wait3A_55 = tpu.memref_slice %arg4[%mul3A_8] : memref<32xf32, #tpu.memory_space<hbm>> -> memref<16xf32, #tpu.memory_space<hbm>>
      tpu.wait_dma2 semaphore(%run_scoped3A : memref<!tpu.dma_semaphore, #tpu.memory_space<semaphore_mem>>) src(%dma_wait3A_55 : memref<16xf32, #tpu.memory_space<hbm>>) dst(%arg12 : memref<16xf32, #tpu.memory_space<vmem>>)
      tpu.yield
    }) : () -> ()
    "tpu.region"() ({
      %run_scoped3A = tpu.sem_alloc : memref<!tpu.dma_semaphore, #tpu.memory_space<semaphore_mem>>
      %dma_start3A = arith.constant 0 : i32
      %dma_start3A_53 = arith.constant 0 : i32
      %dma_start3A_54 = tpu.memref_slice %arg5[%arg0, %dma_start3A, %dma_start3A_53] : memref<2x16x128xf32, #tpu.memory_space<hbm>> -> memref<1x16x128xf32, #tpu.memory_space<hbm>>
      %dma_start3A_55 = tpu.memref_squeeze %dma_start3A_54 : memref<1x16x128xf32, #tpu.memory_space<hbm>> -> memref<16x128xf32, #tpu.memory_space<hbm>>
      %dma_start3A_56 = arith.constant 0 : i32
      %dma_start3A_57 = arith.constant 0 : i32
      %dma_start3A_58 = tpu.memref_slice %arg5[%arg0, %dma_start3A_56, %dma_start3A_57] : memref<2x16x128xf32, #tpu.memory_space<hbm>> -> memref<1x16x128xf32, #tpu.memory_space<hbm>>
      %dma_start3A_59 = tpu.memref_squeeze %dma_start3A_58 : memref<1x16x128xf32, #tpu.memory_space<hbm>> -> memref<16x128xf32, #tpu.memory_space<hbm>>
      tpu.enqueue_dma source(%dma_start3A_59 : memref<16x128xf32, #tpu.memory_space<hbm>>) target(%arg13 : memref<16x128xf32, #tpu.memory_space<vmem>>) target_semaphore(%run_scoped3A : memref<!tpu.dma_semaphore, #tpu.memory_space<semaphore_mem>>)
      %dma_wait3A_60 = arith.constant 0 : i32
      %dma_wait3A_61 = arith.constant 0 : i32
      %dma_wait3A_62 = tpu.memref_slice %arg5[%arg0, %dma_wait3A_60, %dma_wait3A_61] : memref<2x16x128xf32, #tpu.memory_space<hbm>> -> memref<1x16x128xf32, #tpu.memory_space<hbm>>
      %dma_wait3A_63 = tpu.memref_squeeze %dma_wait3A_62 : memref<1x16x128xf32, #tpu.memory_space<hbm>> -> memref<16x128xf32, #tpu.memory_space<hbm>>
      %dma_wait3A_64 = arith.constant 0 : i32
      %dma_wait3A_65 = arith.constant 0 : i32
      %dma_wait3A_66 = tpu.memref_slice %arg5[%arg0, %dma_wait3A_64, %dma_wait3A_65] : memref<2x16x128xf32, #tpu.memory_space<hbm>> -> memref<1x16x128xf32, #tpu.memory_space<hbm>>
      %dma_wait3A_67 = tpu.memref_squeeze %dma_wait3A_66 : memref<1x16x128xf32, #tpu.memory_space<hbm>> -> memref<16x128xf32, #tpu.memory_space<hbm>>
      tpu.wait_dma2 semaphore(%run_scoped3A : memref<!tpu.dma_semaphore, #tpu.memory_space<semaphore_mem>>) src(%dma_wait3A_67 : memref<16x128xf32, #tpu.memory_space<hbm>>) dst(%arg13 : memref<16x128xf32, #tpu.memory_space<vmem>>)
      tpu.yield
    }) : () -> ()
    %eq3A_9 = arith.constant 0 : i32
    %eq3A_10 = arith.cmpi eq, %arg1, %eq3A_9 : i32
    %convert_element_type3A_11 = arith.extui %eq3A_10 : i1 to i32
    %cond3A_12 = arith.constant 0 : i32
    %cond3A_13 = arith.cmpi ne, %convert_element_type3A_11, %cond3A_12 : i32
    scf.if %cond3A_13 {
      "tpu.region"() ({
        %run_scoped3A = tpu.sem_alloc : memref<!tpu.dma_semaphore, #tpu.memory_space<semaphore_mem>>
        tpu.enqueue_dma source(%arg3 : memref<20000xf32, #tpu.memory_space<hbm>>) target(%arg11 : memref<20000xf32, #tpu.memory_space<vmem_shared>>) target_semaphore(%run_scoped3A : memref<!tpu.dma_semaphore, #tpu.memory_space<semaphore_mem>>)
        tpu.wait_dma2 semaphore(%run_scoped3A : memref<!tpu.dma_semaphore, #tpu.memory_space<semaphore_mem>>) src(%arg3 : memref<20000xf32, #tpu.memory_space<hbm>>) dst(%arg11 : memref<20000xf32, #tpu.memory_space<vmem_shared>>)
        tpu.yield
      }) : () -> ()
    } else {
    }
    %barrier3A = arith.constant 0 : index
    tpu.barrier barrier_id(%barrier3A)
    %iota3A = tpu.iota {dimensions = array<i32: 0>} : vector<16xi32>
    %scan3A = arith.constant 0 : i32
    %scan3A_14 = arith.constant 0 : i32
    %scan3A_15 = arith.constant 25 : i32
    %scan3A_16 = arith.addi %scan3A_14, %scan3A_15 : i32
    %scan3A_17 = arith.constant 1 : i32
    scf.for %scan3A_53 = %scan3A_14 to %scan3A_16 step %scan3A_17  : i32 {
      %gt3A = arith.constant 0 : i32
      %gt3A_54 = arith.cmpi sgt, %scan3A_53, %gt3A : i32
      %convert_element_type3A_55 = arith.extui %gt3A_54 : i1 to i32
      %cond3A_56 = arith.constant 0 : i32
      %cond3A_57 = arith.cmpi ne, %convert_element_type3A_55, %cond3A_56 : i32
      scf.if %cond3A_57 {
        %dma_wait3A_112 = arith.constant 0 : i32
        %dma_wait3A_113 = arith.constant 0 : i32
        %dma_wait3A_114 = arith.constant 0 : i32
        %dma_wait3A_115 = arith.constant 0 : i32
        %dma_wait3A_116 = tpu.memref_slice %arg17[%dma_wait3A_112, %dma_wait3A_114, %dma_wait3A_115] : memref<2x80x128xf32, #tpu.memory_space<vmem>> -> memref<1x80x128xf32, #tpu.memory_space<vmem>>
        %dma_wait3A_117 = tpu.memref_squeeze %dma_wait3A_116 : memref<1x80x128xf32, #tpu.memory_space<vmem>> -> memref<80x128xf32, #tpu.memory_space<vmem>>
        %dma_wait3A_118 = arith.constant 0 : i32
        %dma_wait3A_119 = tpu.memref_slice %arg15[%dma_wait3A_113, %dma_wait3A_118] : memref<10x80xi32, #tpu.memory_space<vmem>> -> memref<1x80xi32, #tpu.memory_space<vmem>>
        %dma_wait3A_120 = tpu.memref_squeeze %dma_wait3A_119 : memref<1x80xi32, #tpu.memory_space<vmem>> -> memref<80xi32, #tpu.memory_space<vmem>>
        %dma_wait3A_121 = arith.constant 0 : i32
        %dma_wait3A_122 = arith.constant 0 : i32
        %dma_wait3A_123 = tpu.memref_slice %arg10[%dma_wait3A_121, %dma_wait3A_122] : memref<10000x128xf32, #tpu.memory_space<vmem_shared>> -> memref<10000x128xf32, #tpu.memory_space<vmem_shared>>
        tpu.wait_indirect_dma semaphore(%arg23 : memref<!tpu.dma_semaphore, #tpu.memory_space<semaphore_mem>>) src(%dma_wait3A_117 : memref<80x128xf32, #tpu.memory_space<vmem>>) dst(%dma_wait3A_123 : memref<10000x128xf32, #tpu.memory_space<vmem_shared>>)
        %dma_wait3A_124 = arith.constant 1 : i32
        %dma_wait3A_125 = arith.constant 0 : i32
        %dma_wait3A_126 = arith.constant 0 : i32
        %dma_wait3A_127 = arith.constant 0 : i32
        %dma_wait3A_128 = tpu.memref_slice %arg17[%dma_wait3A_124, %dma_wait3A_126, %dma_wait3A_127] : memref<2x80x128xf32, #tpu.memory_space<vmem>> -> memref<1x80x128xf32, #tpu.memory_space<vmem>>
        %dma_wait3A_129 = tpu.memref_squeeze %dma_wait3A_128 : memref<1x80x128xf32, #tpu.memory_space<vmem>> -> memref<80x128xf32, #tpu.memory_space<vmem>>
        %dma_wait3A_130 = arith.constant 0 : i32
        %dma_wait3A_131 = tpu.memref_slice %arg15[%dma_wait3A_125, %dma_wait3A_130] : memref<10x80xi32, #tpu.memory_space<vmem>> -> memref<1x80xi32, #tpu.memory_space<vmem>>
        %dma_wait3A_132 = tpu.memref_squeeze %dma_wait3A_131 : memref<1x80xi32, #tpu.memory_space<vmem>> -> memref<80xi32, #tpu.memory_space<vmem>>
        %dma_wait3A_133 = arith.constant 0 : i32
        %dma_wait3A_134 = arith.constant 0 : i32
        %dma_wait3A_135 = tpu.memref_slice %arg10[%dma_wait3A_133, %dma_wait3A_134] : memref<10000x128xf32, #tpu.memory_space<vmem_shared>> -> memref<10000x128xf32, #tpu.memory_space<vmem_shared>>
        tpu.wait_indirect_dma semaphore(%arg24 : memref<!tpu.dma_semaphore, #tpu.memory_space<semaphore_mem>>) src(%dma_wait3A_129 : memref<80x128xf32, #tpu.memory_space<vmem>>) dst(%dma_wait3A_135 : memref<10000x128xf32, #tpu.memory_space<vmem_shared>>)
      } else {
      }
      %mul3A_58 = arith.constant 16 : i32
      %mul3A_59 = arith.muli %arg0, %mul3A_58 : i32
      %add3A = arith.addi %mul3A_59, %arg1 : i32
      %mul3A_60 = arith.constant 25 : i32
      %mul3A_61 = arith.muli %add3A, %mul3A_60 : i32
      %add3A_62 = arith.addi %mul3A_61, %scan3A_53 : i32
      "tpu.region"() ({
        %run_scoped3A = tpu.sem_alloc : memref<!tpu.dma_semaphore, #tpu.memory_space<semaphore_mem>>
        %dma_start3A_112 = arith.constant 0 : i32
        %dma_start3A_113 = arith.constant 0 : i32
        %dma_start3A_114 = tpu.memref_slice %arg6[%add3A_62, %dma_start3A_112, %dma_start3A_113] : memref<800x10x160xi32, #tpu.memory_space<hbm>> -> memref<1x10x160xi32, #tpu.memory_space<hbm>>
        %dma_start3A_115 = tpu.memref_squeeze %dma_start3A_114 : memref<1x10x160xi32, #tpu.memory_space<hbm>> -> memref<10x160xi32, #tpu.memory_space<hbm>>
        %dma_start3A_116 = arith.constant 0 : i32
        %dma_start3A_117 = arith.constant 0 : i32
        %dma_start3A_118 = tpu.memref_slice %arg6[%add3A_62, %dma_start3A_116, %dma_start3A_117] : memref<800x10x160xi32, #tpu.memory_space<hbm>> -> memref<1x10x160xi32, #tpu.memory_space<hbm>>
        %dma_start3A_119 = tpu.memref_squeeze %dma_start3A_118 : memref<1x10x160xi32, #tpu.memory_space<hbm>> -> memref<10x160xi32, #tpu.memory_space<hbm>>
        tpu.enqueue_dma source(%dma_start3A_119 : memref<10x160xi32, #tpu.memory_space<hbm>>) target(%arg14 : memref<10x160xi32, #tpu.memory_space<vmem>>) target_semaphore(%run_scoped3A : memref<!tpu.dma_semaphore, #tpu.memory_space<semaphore_mem>>)
        %dma_wait3A_120 = arith.constant 0 : i32
        %dma_wait3A_121 = arith.constant 0 : i32
        %dma_wait3A_122 = tpu.memref_slice %arg6[%add3A_62, %dma_wait3A_120, %dma_wait3A_121] : memref<800x10x160xi32, #tpu.memory_space<hbm>> -> memref<1x10x160xi32, #tpu.memory_space<hbm>>
        %dma_wait3A_123 = tpu.memref_squeeze %dma_wait3A_122 : memref<1x10x160xi32, #tpu.memory_space<hbm>> -> memref<10x160xi32, #tpu.memory_space<hbm>>
        %dma_wait3A_124 = arith.constant 0 : i32
        %dma_wait3A_125 = arith.constant 0 : i32
        %dma_wait3A_126 = tpu.memref_slice %arg6[%add3A_62, %dma_wait3A_124, %dma_wait3A_125] : memref<800x10x160xi32, #tpu.memory_space<hbm>> -> memref<1x10x160xi32, #tpu.memory_space<hbm>>
        %dma_wait3A_127 = tpu.memref_squeeze %dma_wait3A_126 : memref<1x10x160xi32, #tpu.memory_space<hbm>> -> memref<10x160xi32, #tpu.memory_space<hbm>>
        tpu.wait_dma2 semaphore(%run_scoped3A : memref<!tpu.dma_semaphore, #tpu.memory_space<semaphore_mem>>) src(%dma_wait3A_127 : memref<10x160xi32, #tpu.memory_space<hbm>>) dst(%arg14 : memref<10x160xi32, #tpu.memory_space<vmem>>)
        tpu.yield
      }) : () -> ()
      "tpu.region"() ({
        %run_scoped3A = tpu.sem_alloc : memref<!tpu.dma_semaphore, #tpu.memory_space<semaphore_mem>>
        %dma_start3A_112 = arith.constant 0 : i32
        %dma_start3A_113 = arith.constant 0 : i32
        %dma_start3A_114 = tpu.memref_slice %arg7[%add3A_62, %dma_start3A_112, %dma_start3A_113] : memref<800x10x80xi32, #tpu.memory_space<hbm>> -> memref<1x10x80xi32, #tpu.memory_space<hbm>>
        %dma_start3A_115 = tpu.memref_squeeze %dma_start3A_114 : memref<1x10x80xi32, #tpu.memory_space<hbm>> -> memref<10x80xi32, #tpu.memory_space<hbm>>
        %dma_start3A_116 = arith.constant 0 : i32
        %dma_start3A_117 = arith.constant 0 : i32
        %dma_start3A_118 = tpu.memref_slice %arg7[%add3A_62, %dma_start3A_116, %dma_start3A_117] : memref<800x10x80xi32, #tpu.memory_space<hbm>> -> memref<1x10x80xi32, #tpu.memory_space<hbm>>
        %dma_start3A_119 = tpu.memref_squeeze %dma_start3A_118 : memref<1x10x80xi32, #tpu.memory_space<hbm>> -> memref<10x80xi32, #tpu.memory_space<hbm>>
        tpu.enqueue_dma source(%dma_start3A_119 : memref<10x80xi32, #tpu.memory_space<hbm>>) target(%arg15 : memref<10x80xi32, #tpu.memory_space<vmem>>) target_semaphore(%run_scoped3A : memref<!tpu.dma_semaphore, #tpu.memory_space<semaphore_mem>>)
        %dma_wait3A_120 = arith.constant 0 : i32
        %dma_wait3A_121 = arith.constant 0 : i32
        %dma_wait3A_122 = tpu.memref_slice %arg7[%add3A_62, %dma_wait3A_120, %dma_wait3A_121] : memref<800x10x80xi32, #tpu.memory_space<hbm>> -> memref<1x10x80xi32, #tpu.memory_space<hbm>>
        %dma_wait3A_123 = tpu.memref_squeeze %dma_wait3A_122 : memref<1x10x80xi32, #tpu.memory_space<hbm>> -> memref<10x80xi32, #tpu.memory_space<hbm>>
        %dma_wait3A_124 = arith.constant 0 : i32
        %dma_wait3A_125 = arith.constant 0 : i32
        %dma_wait3A_126 = tpu.memref_slice %arg7[%add3A_62, %dma_wait3A_124, %dma_wait3A_125] : memref<800x10x80xi32, #tpu.memory_space<hbm>> -> memref<1x10x80xi32, #tpu.memory_space<hbm>>
        %dma_wait3A_127 = tpu.memref_squeeze %dma_wait3A_126 : memref<1x10x80xi32, #tpu.memory_space<hbm>> -> memref<10x80xi32, #tpu.memory_space<hbm>>
        tpu.wait_dma2 semaphore(%run_scoped3A : memref<!tpu.dma_semaphore, #tpu.memory_space<semaphore_mem>>) src(%dma_wait3A_127 : memref<10x80xi32, #tpu.memory_space<hbm>>) dst(%arg15 : memref<10x80xi32, #tpu.memory_space<vmem>>)
        tpu.yield
      }) : () -> ()
      %dma_start3A = arith.constant 0 : i32
      %dma_start3A_63 = arith.constant 0 : i32
      %dma_start3A_64 = arith.constant 0 : i32
      %dma_start3A_65 = arith.constant 0 : i32
      %dma_start3A_66 = tpu.memref_slice %arg16[%dma_start3A_63, %dma_start3A_64, %dma_start3A_65] : memref<2x80x128xf32, #tpu.memory_space<vmem>> -> memref<1x80x128xf32, #tpu.memory_space<vmem>>
      %dma_start3A_67 = tpu.memref_squeeze %dma_start3A_66 : memref<1x80x128xf32, #tpu.memory_space<vmem>> -> memref<80x128xf32, #tpu.memory_space<vmem>>
      %dma_start3A_68 = arith.constant 0 : i32
      %dma_start3A_69 = tpu.memref_slice %arg14[%dma_start3A, %dma_start3A_68] : memref<10x160xi32, #tpu.memory_space<vmem>> -> memref<1x80xi32, #tpu.memory_space<vmem>>
      %dma_start3A_70 = tpu.memref_squeeze %dma_start3A_69 : memref<1x80xi32, #tpu.memory_space<vmem>> -> memref<80xi32, #tpu.memory_space<vmem>>
      %dma_start3A_71 = arith.constant 0 : i32
      %dma_start3A_72 = arith.constant 0 : i32
      %dma_start3A_73 = tpu.memref_slice %arg2[%dma_start3A_71, %dma_start3A_72] : memref<20000x128xf32, #tpu.memory_space<hbm>> -> memref<20000x128xf32, #tpu.memory_space<hbm>>
      tpu.enqueue_indirect_dma source(%dma_start3A_73 : memref<20000x128xf32, #tpu.memory_space<hbm>>) target(%dma_start3A_67 : memref<80x128xf32, #tpu.memory_space<vmem>>) offsets(%dma_start3A_70 : memref<80xi32, #tpu.memory_space<vmem>>) semaphore(%arg19 : memref<!tpu.dma_semaphore, #tpu.memory_space<semaphore_mem>>)
      %dma_start3A_74 = arith.constant 0 : i32
      %dma_start3A_75 = arith.constant 0 : i32
      %dma_start3A_76 = arith.constant 0 : i32
      %dma_start3A_77 = tpu.memref_slice %arg18[%dma_start3A_75, %dma_start3A_76] : memref<2x80xf32, #tpu.memory_space<vmem>> -> memref<1x80xf32, #tpu.memory_space<vmem>>
      %dma_start3A_78 = tpu.memref_squeeze %dma_start3A_77 : memref<1x80xf32, #tpu.memory_space<vmem>> -> memref<80xf32, #tpu.memory_space<vmem>>
      %dma_start3A_79 = arith.constant 0 : i32
      %dma_start3A_80 = tpu.memref_slice %arg14[%dma_start3A_74, %dma_start3A_79] : memref<10x160xi32, #tpu.memory_space<vmem>> -> memref<1x80xi32, #tpu.memory_space<vmem>>
      %dma_start3A_81 = tpu.memref_squeeze %dma_start3A_80 : memref<1x80xi32, #tpu.memory_space<vmem>> -> memref<80xi32, #tpu.memory_space<vmem>>
      %dma_start3A_82 = arith.constant 0 : i32
      %dma_start3A_83 = tpu.memref_slice %arg11[%dma_start3A_82] : memref<20000xf32, #tpu.memory_space<vmem_shared>> -> memref<20000xf32, #tpu.memory_space<vmem_shared>>
      tpu.enqueue_indirect_dma source(%dma_start3A_83 : memref<20000xf32, #tpu.memory_space<vmem_shared>>) target(%dma_start3A_78 : memref<80xf32, #tpu.memory_space<vmem>>) offsets(%dma_start3A_81 : memref<80xi32, #tpu.memory_space<vmem>>) semaphore(%arg21 : memref<!tpu.dma_semaphore, #tpu.memory_space<semaphore_mem>>)
      %dma_start3A_84 = arith.constant 1 : i32
      %dma_start3A_85 = arith.constant 1 : i32
      %dma_start3A_86 = arith.constant 0 : i32
      %dma_start3A_87 = arith.constant 0 : i32
      %dma_start3A_88 = tpu.memref_slice %arg16[%dma_start3A_85, %dma_start3A_86, %dma_start3A_87] : memref<2x80x128xf32, #tpu.memory_space<vmem>> -> memref<1x80x128xf32, #tpu.memory_space<vmem>>
      %dma_start3A_89 = tpu.memref_squeeze %dma_start3A_88 : memref<1x80x128xf32, #tpu.memory_space<vmem>> -> memref<80x128xf32, #tpu.memory_space<vmem>>
      %dma_start3A_90 = arith.constant 0 : i32
      %dma_start3A_91 = tpu.memref_slice %arg14[%dma_start3A_84, %dma_start3A_90] : memref<10x160xi32, #tpu.memory_space<vmem>> -> memref<1x80xi32, #tpu.memory_space<vmem>>
      %dma_start3A_92 = tpu.memref_squeeze %dma_start3A_91 : memref<1x80xi32, #tpu.memory_space<vmem>> -> memref<80xi32, #tpu.memory_space<vmem>>
      %dma_start3A_93 = arith.constant 0 : i32
      %dma_start3A_94 = arith.constant 0 : i32
      %dma_start3A_95 = tpu.memref_slice %arg2[%dma_start3A_93, %dma_start3A_94] : memref<20000x128xf32, #tpu.memory_space<hbm>> -> memref<20000x128xf32, #tpu.memory_space<hbm>>
      tpu.enqueue_indirect_dma source(%dma_start3A_95 : memref<20000x128xf32, #tpu.memory_space<hbm>>) target(%dma_start3A_89 : memref<80x128xf32, #tpu.memory_space<vmem>>) offsets(%dma_start3A_92 : memref<80xi32, #tpu.memory_space<vmem>>) semaphore(%arg20 : memref<!tpu.dma_semaphore, #tpu.memory_space<semaphore_mem>>)
      %dma_start3A_96 = arith.constant 1 : i32
      %dma_start3A_97 = arith.constant 1 : i32
      %dma_start3A_98 = arith.constant 0 : i32
      %dma_start3A_99 = tpu.memref_slice %arg18[%dma_start3A_97, %dma_start3A_98] : memref<2x80xf32, #tpu.memory_space<vmem>> -> memref<1x80xf32, #tpu.memory_space<vmem>>
      %dma_start3A_100 = tpu.memref_squeeze %dma_start3A_99 : memref<1x80xf32, #tpu.memory_space<vmem>> -> memref<80xf32, #tpu.memory_space<vmem>>
      %dma_start3A_101 = arith.constant 0 : i32
      %dma_start3A_102 = tpu.memref_slice %arg14[%dma_start3A_96, %dma_start3A_101] : memref<10x160xi32, #tpu.memory_space<vmem>> -> memref<1x80xi32, #tpu.memory_space<vmem>>
      %dma_start3A_103 = tpu.memref_squeeze %dma_start3A_102 : memref<1x80xi32, #tpu.memory_space<vmem>> -> memref<80xi32, #tpu.memory_space<vmem>>
      %dma_start3A_104 = arith.constant 0 : i32
      %dma_start3A_105 = tpu.memref_slice %arg11[%dma_start3A_104] : memref<20000xf32, #tpu.memory_space<vmem_shared>> -> memref<20000xf32, #tpu.memory_space<vmem_shared>>
      tpu.enqueue_indirect_dma source(%dma_start3A_105 : memref<20000xf32, #tpu.memory_space<vmem_shared>>) target(%dma_start3A_100 : memref<80xf32, #tpu.memory_space<vmem>>) offsets(%dma_start3A_103 : memref<80xi32, #tpu.memory_space<vmem>>) semaphore(%arg22 : memref<!tpu.dma_semaphore, #tpu.memory_space<semaphore_mem>>)
      %scan3A_106 = arith.constant 0 : i32
      %scan3A_107 = arith.constant 0 : i32
      %scan3A_108 = arith.constant 10 : i32
      %scan3A_109 = arith.addi %scan3A_107, %scan3A_108 : i32
      %scan3A_110 = arith.constant 1 : i32
      scf.for %scan3A_112 = %scan3A_107 to %scan3A_109 step %scan3A_110  : i32 {
        %jit3A = arith.constant 2 : i32
        %eq3A_113 = arith.constant 0 : i32
        %eq3A_114 = arith.cmpi eq, %jit3A, %eq3A_113 : i32
        %jit3A_115 = arith.constant 1 : i32
        %select_n3A = arith.select %eq3A_114, %jit3A_115, %jit3A : i32
        %rem3A = arith.remsi %scan3A_112, %select_n3A : i32
        %ne3A = arith.constant 0 : i32
        %ne3A_116 = arith.cmpi ne, %rem3A, %ne3A : i32
        %lt3A_117 = arith.constant 0 : i32
        %lt3A_118 = arith.cmpi slt, %rem3A, %lt3A_117 : i32
        %lt3A_119 = arith.constant 0 : i32
        %lt3A_120 = arith.cmpi slt, %select_n3A, %lt3A_119 : i32
        %ne3A_121 = arith.xori %lt3A_118, %lt3A_120 : i1
        %and3A = arith.andi %ne3A_121, %ne3A_116 : i1
        %add3A_122 = arith.addi %rem3A, %select_n3A : i32
        %select_n3A_123 = arith.select %and3A, %add3A_122, %rem3A : i32
        %eq3A_124 = arith.constant 0 : i32
        %eq3A_125 = arith.cmpi eq, %select_n3A_123, %eq3A_124 : i32
        %convert_element_type3A_126 = arith.extui %eq3A_125 : i1 to i32
        %cond3A_127 = arith.constant 0 : i32
        %cond3A_128 = arith.cmpi ne, %convert_element_type3A_126, %cond3A_127 : i32
        scf.if %cond3A_128 {
          %dma_wait3A_158 = arith.constant 0 : i32
          %dma_wait3A_159 = arith.constant 0 : i32
          %dma_wait3A_160 = arith.constant 0 : i32
          %dma_wait3A_161 = arith.constant 0 : i32
          %dma_wait3A_162 = tpu.memref_slice %arg16[%dma_wait3A_159, %dma_wait3A_160, %dma_wait3A_161] : memref<2x80x128xf32, #tpu.memory_space<vmem>> -> memref<1x80x128xf32, #tpu.memory_space<vmem>>
          %dma_wait3A_163 = tpu.memref_squeeze %dma_wait3A_162 : memref<1x80x128xf32, #tpu.memory_space<vmem>> -> memref<80x128xf32, #tpu.memory_space<vmem>>
          %dma_wait3A_164 = arith.constant 0 : i32
          %dma_wait3A_165 = tpu.memref_slice %arg14[%dma_wait3A_158, %dma_wait3A_164] : memref<10x160xi32, #tpu.memory_space<vmem>> -> memref<1x80xi32, #tpu.memory_space<vmem>>
          %dma_wait3A_166 = tpu.memref_squeeze %dma_wait3A_165 : memref<1x80xi32, #tpu.memory_space<vmem>> -> memref<80xi32, #tpu.memory_space<vmem>>
          %dma_wait3A_167 = arith.constant 0 : i32
          %dma_wait3A_168 = arith.constant 0 : i32
          %dma_wait3A_169 = tpu.memref_slice %arg2[%dma_wait3A_167, %dma_wait3A_168] : memref<20000x128xf32, #tpu.memory_space<hbm>> -> memref<20000x128xf32, #tpu.memory_space<hbm>>
          tpu.wait_indirect_dma semaphore(%arg19 : memref<!tpu.dma_semaphore, #tpu.memory_space<semaphore_mem>>) src(%dma_wait3A_169 : memref<20000x128xf32, #tpu.memory_space<hbm>>) dst(%dma_wait3A_163 : memref<80x128xf32, #tpu.memory_space<vmem>>)
          %dma_wait3A_170 = arith.constant 0 : i32
          %dma_wait3A_171 = arith.constant 0 : i32
          %dma_wait3A_172 = arith.constant 0 : i32
          %dma_wait3A_173 = tpu.memref_slice %arg18[%dma_wait3A_171, %dma_wait3A_172] : memref<2x80xf32, #tpu.memory_space<vmem>> -> memref<1x80xf32, #tpu.memory_space<vmem>>
          %dma_wait3A_174 = tpu.memref_squeeze %dma_wait3A_173 : memref<1x80xf32, #tpu.memory_space<vmem>> -> memref<80xf32, #tpu.memory_space<vmem>>
          %dma_wait3A_175 = arith.constant 0 : i32
          %dma_wait3A_176 = tpu.memref_slice %arg14[%dma_wait3A_170, %dma_wait3A_175] : memref<10x160xi32, #tpu.memory_space<vmem>> -> memref<1x80xi32, #tpu.memory_space<vmem>>
          %dma_wait3A_177 = tpu.memref_squeeze %dma_wait3A_176 : memref<1x80xi32, #tpu.memory_space<vmem>> -> memref<80xi32, #tpu.memory_space<vmem>>
          %dma_wait3A_178 = arith.constant 0 : i32
          %dma_wait3A_179 = tpu.memref_slice %arg11[%dma_wait3A_178] : memref<20000xf32, #tpu.memory_space<vmem_shared>> -> memref<20000xf32, #tpu.memory_space<vmem_shared>>
          tpu.wait_indirect_dma semaphore(%arg21 : memref<!tpu.dma_semaphore, #tpu.memory_space<semaphore_mem>>) src(%dma_wait3A_179 : memref<20000xf32, #tpu.memory_space<vmem_shared>>) dst(%dma_wait3A_174 : memref<80xf32, #tpu.memory_space<vmem>>)
        } else {
        }
        %eq3A_129 = arith.constant 1 : i32
        %eq3A_130 = arith.cmpi eq, %select_n3A_123, %eq3A_129 : i32
        %convert_element_type3A_131 = arith.extui %eq3A_130 : i1 to i32
        %cond3A_132 = arith.constant 0 : i32
        %cond3A_133 = arith.cmpi ne, %convert_element_type3A_131, %cond3A_132 : i32
        scf.if %cond3A_133 {
          %dma_wait3A_158 = arith.constant 0 : i32
          %dma_wait3A_159 = arith.constant 1 : i32
          %dma_wait3A_160 = arith.constant 0 : i32
          %dma_wait3A_161 = arith.constant 0 : i32
          %dma_wait3A_162 = tpu.memref_slice %arg16[%dma_wait3A_159, %dma_wait3A_160, %dma_wait3A_161] : memref<2x80x128xf32, #tpu.memory_space<vmem>> -> memref<1x80x128xf32, #tpu.memory_space<vmem>>
          %dma_wait3A_163 = tpu.memref_squeeze %dma_wait3A_162 : memref<1x80x128xf32, #tpu.memory_space<vmem>> -> memref<80x128xf32, #tpu.memory_space<vmem>>
          %dma_wait3A_164 = arith.constant 0 : i32
          %dma_wait3A_165 = tpu.memref_slice %arg14[%dma_wait3A_158, %dma_wait3A_164] : memref<10x160xi32, #tpu.memory_space<vmem>> -> memref<1x80xi32, #tpu.memory_space<vmem>>
          %dma_wait3A_166 = tpu.memref_squeeze %dma_wait3A_165 : memref<1x80xi32, #tpu.memory_space<vmem>> -> memref<80xi32, #tpu.memory_space<vmem>>
          %dma_wait3A_167 = arith.constant 0 : i32
          %dma_wait3A_168 = arith.constant 0 : i32
          %dma_wait3A_169 = tpu.memref_slice %arg2[%dma_wait3A_167, %dma_wait3A_168] : memref<20000x128xf32, #tpu.memory_space<hbm>> -> memref<20000x128xf32, #tpu.memory_space<hbm>>
          tpu.wait_indirect_dma semaphore(%arg20 : memref<!tpu.dma_semaphore, #tpu.memory_space<semaphore_mem>>) src(%dma_wait3A_169 : memref<20000x128xf32, #tpu.memory_space<hbm>>) dst(%dma_wait3A_163 : memref<80x128xf32, #tpu.memory_space<vmem>>)
          %dma_wait3A_170 = arith.constant 0 : i32
          %dma_wait3A_171 = arith.constant 1 : i32
          %dma_wait3A_172 = arith.constant 0 : i32
          %dma_wait3A_173 = tpu.memref_slice %arg18[%dma_wait3A_171, %dma_wait3A_172] : memref<2x80xf32, #tpu.memory_space<vmem>> -> memref<1x80xf32, #tpu.memory_space<vmem>>
          %dma_wait3A_174 = tpu.memref_squeeze %dma_wait3A_173 : memref<1x80xf32, #tpu.memory_space<vmem>> -> memref<80xf32, #tpu.memory_space<vmem>>
          %dma_wait3A_175 = arith.constant 0 : i32
          %dma_wait3A_176 = tpu.memref_slice %arg14[%dma_wait3A_170, %dma_wait3A_175] : memref<10x160xi32, #tpu.memory_space<vmem>> -> memref<1x80xi32, #tpu.memory_space<vmem>>
          %dma_wait3A_177 = tpu.memref_squeeze %dma_wait3A_176 : memref<1x80xi32, #tpu.memory_space<vmem>> -> memref<80xi32, #tpu.memory_space<vmem>>
          %dma_wait3A_178 = arith.constant 0 : i32
          %dma_wait3A_179 = tpu.memref_slice %arg11[%dma_wait3A_178] : memref<20000xf32, #tpu.memory_space<vmem_shared>> -> memref<20000xf32, #tpu.memory_space<vmem_shared>>
          tpu.wait_indirect_dma semaphore(%arg22 : memref<!tpu.dma_semaphore, #tpu.memory_space<semaphore_mem>>) src(%dma_wait3A_179 : memref<20000xf32, #tpu.memory_space<vmem_shared>>) dst(%dma_wait3A_174 : memref<80xf32, #tpu.memory_space<vmem>>)
        } else {
        }
        %ge3A = arith.constant 2 : i32
        %ge3A_134 = arith.cmpi sge, %scan3A_112, %ge3A : i32
        %convert_element_type3A_135 = arith.extui %ge3A_134 : i1 to i32
        %cond3A_136 = arith.constant 0 : i32
        %cond3A_137 = arith.cmpi ne, %convert_element_type3A_135, %cond3A_136 : i32
        scf.if %cond3A_137 {
          %eq3A_158 = arith.constant 0 : i32
          %eq3A_159 = arith.cmpi eq, %select_n3A_123, %eq3A_158 : i32
          %convert_element_type3A_160 = arith.extui %eq3A_159 : i1 to i32
          %cond3A_161 = arith.constant 0 : i32
          %cond3A_162 = arith.cmpi ne, %convert_element_type3A_160, %cond3A_161 : i32
          scf.if %cond3A_162 {
            %dma_wait3A_168 = arith.constant 0 : i32
            %dma_wait3A_169 = arith.constant 0 : i32
            %dma_wait3A_170 = arith.constant 0 : i32
            %dma_wait3A_171 = arith.constant 0 : i32
            %dma_wait3A_172 = tpu.memref_slice %arg17[%dma_wait3A_168, %dma_wait3A_170, %dma_wait3A_171] : memref<2x80x128xf32, #tpu.memory_space<vmem>> -> memref<1x80x128xf32, #tpu.memory_space<vmem>>
            %dma_wait3A_173 = tpu.memref_squeeze %dma_wait3A_172 : memref<1x80x128xf32, #tpu.memory_space<vmem>> -> memref<80x128xf32, #tpu.memory_space<vmem>>
            %dma_wait3A_174 = arith.constant 0 : i32
            %dma_wait3A_175 = tpu.memref_slice %arg15[%dma_wait3A_169, %dma_wait3A_174] : memref<10x80xi32, #tpu.memory_space<vmem>> -> memref<1x80xi32, #tpu.memory_space<vmem>>
            %dma_wait3A_176 = tpu.memref_squeeze %dma_wait3A_175 : memref<1x80xi32, #tpu.memory_space<vmem>> -> memref<80xi32, #tpu.memory_space<vmem>>
            %dma_wait3A_177 = arith.constant 0 : i32
            %dma_wait3A_178 = arith.constant 0 : i32
            %dma_wait3A_179 = tpu.memref_slice %arg10[%dma_wait3A_177, %dma_wait3A_178] : memref<10000x128xf32, #tpu.memory_space<vmem_shared>> -> memref<10000x128xf32, #tpu.memory_space<vmem_shared>>
            tpu.wait_indirect_dma semaphore(%arg23 : memref<!tpu.dma_semaphore, #tpu.memory_space<semaphore_mem>>) src(%dma_wait3A_173 : memref<80x128xf32, #tpu.memory_space<vmem>>) dst(%dma_wait3A_179 : memref<10000x128xf32, #tpu.memory_space<vmem_shared>>)
          } else {
          }
          %eq3A_163 = arith.constant 1 : i32
          %eq3A_164 = arith.cmpi eq, %select_n3A_123, %eq3A_163 : i32
          %convert_element_type3A_165 = arith.extui %eq3A_164 : i1 to i32
          %cond3A_166 = arith.constant 0 : i32
          %cond3A_167 = arith.cmpi ne, %convert_element_type3A_165, %cond3A_166 : i32
          scf.if %cond3A_167 {
            %dma_wait3A_168 = arith.constant 1 : i32
            %dma_wait3A_169 = arith.constant 0 : i32
            %dma_wait3A_170 = arith.constant 0 : i32
            %dma_wait3A_171 = arith.constant 0 : i32
            %dma_wait3A_172 = tpu.memref_slice %arg17[%dma_wait3A_168, %dma_wait3A_170, %dma_wait3A_171] : memref<2x80x128xf32, #tpu.memory_space<vmem>> -> memref<1x80x128xf32, #tpu.memory_space<vmem>>
            %dma_wait3A_173 = tpu.memref_squeeze %dma_wait3A_172 : memref<1x80x128xf32, #tpu.memory_space<vmem>> -> memref<80x128xf32, #tpu.memory_space<vmem>>
            %dma_wait3A_174 = arith.constant 0 : i32
            %dma_wait3A_175 = tpu.memref_slice %arg15[%dma_wait3A_169, %dma_wait3A_174] : memref<10x80xi32, #tpu.memory_space<vmem>> -> memref<1x80xi32, #tpu.memory_space<vmem>>
            %dma_wait3A_176 = tpu.memref_squeeze %dma_wait3A_175 : memref<1x80xi32, #tpu.memory_space<vmem>> -> memref<80xi32, #tpu.memory_space<vmem>>
            %dma_wait3A_177 = arith.constant 0 : i32
            %dma_wait3A_178 = arith.constant 0 : i32
            %dma_wait3A_179 = tpu.memref_slice %arg10[%dma_wait3A_177, %dma_wait3A_178] : memref<10000x128xf32, #tpu.memory_space<vmem_shared>> -> memref<10000x128xf32, #tpu.memory_space<vmem_shared>>
            tpu.wait_indirect_dma semaphore(%arg24 : memref<!tpu.dma_semaphore, #tpu.memory_space<semaphore_mem>>) src(%dma_wait3A_173 : memref<80x128xf32, #tpu.memory_space<vmem>>) dst(%dma_wait3A_179 : memref<10000x128xf32, #tpu.memory_space<vmem_shared>>)
          } else {
          }
        } else {
        }
        %scan3A_138 = arith.constant 0 : i32
        %scan3A_139 = arith.constant 0 : i32
        %scan3A_140 = arith.constant 5 : i32
        %scan3A_141 = arith.addi %scan3A_139, %scan3A_140 : i32
        %scan3A_142 = arith.constant 1 : i32
        scf.for %scan3A_158 = %scan3A_139 to %scan3A_141 step %scan3A_142  : i32 {
          %mul3A_159 = arith.constant 16 : i32
          %mul3A_160 = arith.muli %scan3A_158, %mul3A_159 : i32
          %add3A_161 = arith.constant 80 : i32
          %add3A_162 = arith.addi %add3A_161, %mul3A_160 : i32
          %get3A = arith.index_cast %scan3A_112 : i32 to index
          %get3A_163 = arith.index_cast %add3A_162 : i32 to index
          %get3A_164 = tpu.vector_load %arg14[%get3A, %get3A_163] {strides = array<i32>} : memref<10x160xi32, #tpu.memory_space<vmem>>, vector<16xi32>,
          %mul3A_165 = arith.constant 16 : i32
          %mul3A_166 = arith.muli %scan3A_158, %mul3A_165 : i32
          %get3A_167 = arith.index_cast %select_n3A_123 : i32 to index
          %get3A_168 = arith.index_cast %mul3A_166 : i32 to index
          %get3A_169 = tpu.vector_load %arg18[%get3A_167, %get3A_168] {strides = array<i32>} : memref<2x80xf32, #tpu.memory_space<vmem>>, vector<16xf32>,
          %gather3A = tpu.vector_load_idx %arg12[%get3A_164] : memref<16xf32, #tpu.memory_space<vmem>>[vector<16xi32>], vector<16xf32>,
          %add3A_170 = arith.addf %get3A_169, %gather3A : vector<16xf32>
          %neg3A = arith.constant 0.000000e+00 : f32
          %neg3A_171 = vector.broadcast %neg3A : f32 to vector<16xf32>
          %neg3A_172 = arith.subf %neg3A_171, %add3A_170 : vector<16xf32>
          %exp3A = math.exp %neg3A_172 : vector<16xf32>
          %add3A_173 = arith.constant 1.000000e+00 : f32
          %add3A_174 = vector.broadcast %add3A_173 : f32 to vector<16xf32>
          %add3A_175 = arith.addf %add3A_174, %exp3A : vector<16xf32>
          %div3A = arith.constant 1.000000e+00 : f32
          %div3A_176 = vector.broadcast %div3A : f32 to vector<16xf32>
          %div3A_177 = arith.divf %div3A_176, %add3A_175 : vector<16xf32>
          %parallel_loop3A = arith.constant 0 : i32
          %parallel_loop3A_178 = arith.constant 16 : i32
          %parallel_loop3A_179 = arith.constant 1 : i32
          scf.for %parallel_loop3A_180 = %parallel_loop3A to %parallel_loop3A_178 step %parallel_loop3A_179  : i32 {
            %parallel_loop3A_181 = arith.constant 0 : i32
            %parallel_loop3A_182 = vector.broadcast %parallel_loop3A_181 : i32 to vector<16xi32>
            %parallel_loop3A_183 = vector.broadcast %parallel_loop3A_180 : i32 to vector<16xi32>
            %parallel_loop3A_184 = arith.addi %parallel_loop3A_182, %parallel_loop3A_183 : vector<16xi32>
            %parallel_loop3A_185 = arith.constant 0 : i32
            %parallel_loop3A_186 = vector.broadcast %parallel_loop3A_185 : i32 to vector<16xi32>
            %parallel_loop3A_187 = arith.cmpi slt, %parallel_loop3A_184, %parallel_loop3A_186 : vector<16xi32>
            %parallel_loop3A_188 = arith.constant 16 : i32
            %parallel_loop3A_189 = vector.broadcast %parallel_loop3A_188 : i32 to vector<16xi32>
            %parallel_loop3A_190 = arith.addi %parallel_loop3A_184, %parallel_loop3A_189 : vector<16xi32>
            %parallel_loop3A_191 = arith.select %parallel_loop3A_187, %parallel_loop3A_190, %parallel_loop3A_184 : vector<16xi1>, vector<16xi32>
            %parallel_loop3A_192 = vector.shape_cast %parallel_loop3A_191 : vector<16xi32> to vector<16x1xi32>
            %parallel_loop3A_193 = vector.shape_cast %parallel_loop3A_192 : vector<16x1xi32> to vector<16xi32>
            %parallel_loop3A_194 = tpu.dynamic_gather %div3A_177[%parallel_loop3A_193] in [0] : vector<16xf32>, vector<16xi32> -> vector<16xf32>
            %parallel_loop3A_195 = arith.constant 0 : i32
            %parallel_loop3A_196 = vector.broadcast %parallel_loop3A_195 : i32 to vector<16xi32>
            %parallel_loop3A_197 = arith.cmpi slt, %parallel_loop3A_184, %parallel_loop3A_196 : vector<16xi32>
            %parallel_loop3A_198 = arith.constant 16 : i32
            %parallel_loop3A_199 = vector.broadcast %parallel_loop3A_198 : i32 to vector<16xi32>
            %parallel_loop3A_200 = arith.addi %parallel_loop3A_184, %parallel_loop3A_199 : vector<16xi32>
            %parallel_loop3A_201 = arith.select %parallel_loop3A_197, %parallel_loop3A_200, %parallel_loop3A_184 : vector<16xi1>, vector<16xi32>
            %parallel_loop3A_202 = vector.shape_cast %parallel_loop3A_201 : vector<16xi32> to vector<16x1xi32>
            %parallel_loop3A_203 = vector.shape_cast %parallel_loop3A_202 : vector<16x1xi32> to vector<16xi32>
            %parallel_loop3A_204 = tpu.dynamic_gather %get3A_164[%parallel_loop3A_203] in [0] : vector<16xi32>, vector<16xi32> -> vector<16xi32>
            %parallel_loop3A_205 = arith.constant 16 : i32
            %parallel_loop3A_206 = arith.muli %scan3A_158, %parallel_loop3A_205 : i32
            %parallel_loop3A_207 = arith.addi %parallel_loop3A_206, %parallel_loop3A_180 : i32
            %parallel_loop3A_208 = arith.constant 0 : i32
            %parallel_loop3A_209 = vector.broadcast %parallel_loop3A_208 : i32 to vector<16xi32>
            %parallel_loop3A_210 = arith.addi %parallel_loop3A_209, %iota3A : vector<16xi32>
            %parallel_loop3A_211 = tpu.vector_load_idx %arg13[%parallel_loop3A_204, %parallel_loop3A_210] : memref<16x128xf32, #tpu.memory_space<vmem>>[vector<16xi32>, vector<16xi32>], vector<16xf32>,
            %parallel_loop3A_212 = arith.index_cast %select_n3A_123 : i32 to index
            %parallel_loop3A_213 = arith.index_cast %parallel_loop3A_207 : i32 to index
            %parallel_loop3A_214 = arith.constant 0 : index
            %parallel_loop3A_215 = tpu.vector_load %arg16[%parallel_loop3A_212, %parallel_loop3A_213, %parallel_loop3A_214] {strides = array<i32>} : memref<2x80x128xf32, #tpu.memory_space<vmem>>, vector<16xf32>,
            %parallel_loop3A_216 = arith.addf %parallel_loop3A_215, %parallel_loop3A_211 : vector<16xf32>
            %parallel_loop3A_217 = arith.mulf %parallel_loop3A_216, %parallel_loop3A_194 : vector<16xf32>
            %parallel_loop3A_218 = arith.index_cast %select_n3A_123 : i32 to index
            %parallel_loop3A_219 = arith.index_cast %parallel_loop3A_207 : i32 to index
            %parallel_loop3A_220 = arith.constant 0 : index
            %parallel_loop3A_221 = tpu.vector_load %arg17[%parallel_loop3A_218, %parallel_loop3A_219, %parallel_loop3A_220] {strides = array<i32>} : memref<2x80x128xf32, #tpu.memory_space<vmem>>, vector<16xf32>,
            tpu.vector_store %arg17[%parallel_loop3A_218, %parallel_loop3A_219, %parallel_loop3A_220], %parallel_loop3A_217 {strides = array<i32>} : memref<2x80x128xf32, #tpu.memory_space<vmem>>, vector<16xf32>,
            %parallel_loop3A_222 = arith.constant 16 : i32
            %parallel_loop3A_223 = vector.broadcast %parallel_loop3A_222 : i32 to vector<16xi32>
            %parallel_loop3A_224 = arith.addi %parallel_loop3A_223, %iota3A : vector<16xi32>
            %parallel_loop3A_225 = tpu.vector_load_idx %arg13[%parallel_loop3A_204, %parallel_loop3A_224] : memref<16x128xf32, #tpu.memory_space<vmem>>[vector<16xi32>, vector<16xi32>], vector<16xf32>,
            %parallel_loop3A_226 = arith.index_cast %select_n3A_123 : i32 to index
            %parallel_loop3A_227 = arith.index_cast %parallel_loop3A_207 : i32 to index
            %parallel_loop3A_228 = arith.constant 16 : index
            %parallel_loop3A_229 = tpu.vector_load %arg16[%parallel_loop3A_226, %parallel_loop3A_227, %parallel_loop3A_228] {strides = array<i32>} : memref<2x80x128xf32, #tpu.memory_space<vmem>>, vector<16xf32>,
            %parallel_loop3A_230 = arith.addf %parallel_loop3A_229, %parallel_loop3A_225 : vector<16xf32>
            %parallel_loop3A_231 = arith.mulf %parallel_loop3A_230, %parallel_loop3A_194 : vector<16xf32>
            %parallel_loop3A_232 = arith.index_cast %select_n3A_123 : i32 to index
            %parallel_loop3A_233 = arith.index_cast %parallel_loop3A_207 : i32 to index
            %parallel_loop3A_234 = arith.constant 16 : index
            %parallel_loop3A_235 = tpu.vector_load %arg17[%parallel_loop3A_232, %parallel_loop3A_233, %parallel_loop3A_234] {strides = array<i32>} : memref<2x80x128xf32, #tpu.memory_space<vmem>>, vector<16xf32>,
            tpu.vector_store %arg17[%parallel_loop3A_232, %parallel_loop3A_233, %parallel_loop3A_234], %parallel_loop3A_231 {strides = array<i32>} : memref<2x80x128xf32, #tpu.memory_space<vmem>>, vector<16xf32>,
            %parallel_loop3A_236 = arith.constant 32 : i32
            %parallel_loop3A_237 = vector.broadcast %parallel_loop3A_236 : i32 to vector<16xi32>
            %parallel_loop3A_238 = arith.addi %parallel_loop3A_237, %iota3A : vector<16xi32>
            %parallel_loop3A_239 = tpu.vector_load_idx %arg13[%parallel_loop3A_204, %parallel_loop3A_238] : memref<16x128xf32, #tpu.memory_space<vmem>>[vector<16xi32>, vector<16xi32>], vector<16xf32>,
            %parallel_loop3A_240 = arith.index_cast %select_n3A_123 : i32 to index
            %parallel_loop3A_241 = arith.index_cast %parallel_loop3A_207 : i32 to index
            %parallel_loop3A_242 = arith.constant 32 : index
            %parallel_loop3A_243 = tpu.vector_load %arg16[%parallel_loop3A_240, %parallel_loop3A_241, %parallel_loop3A_242] {strides = array<i32>} : memref<2x80x128xf32, #tpu.memory_space<vmem>>, vector<16xf32>,
            %parallel_loop3A_244 = arith.addf %parallel_loop3A_243, %parallel_loop3A_239 : vector<16xf32>
            %parallel_loop3A_245 = arith.mulf %parallel_loop3A_244, %parallel_loop3A_194 : vector<16xf32>
            %parallel_loop3A_246 = arith.index_cast %select_n3A_123 : i32 to index
            %parallel_loop3A_247 = arith.index_cast %parallel_loop3A_207 : i32 to index
            %parallel_loop3A_248 = arith.constant 32 : index
            %parallel_loop3A_249 = tpu.vector_load %arg17[%parallel_loop3A_246, %parallel_loop3A_247, %parallel_loop3A_248] {strides = array<i32>} : memref<2x80x128xf32, #tpu.memory_space<vmem>>, vector<16xf32>,
            tpu.vector_store %arg17[%parallel_loop3A_246, %parallel_loop3A_247, %parallel_loop3A_248], %parallel_loop3A_245 {strides = array<i32>} : memref<2x80x128xf32, #tpu.memory_space<vmem>>, vector<16xf32>,
            %parallel_loop3A_250 = arith.constant 48 : i32
            %parallel_loop3A_251 = vector.broadcast %parallel_loop3A_250 : i32 to vector<16xi32>
            %parallel_loop3A_252 = arith.addi %parallel_loop3A_251, %iota3A : vector<16xi32>
            %parallel_loop3A_253 = tpu.vector_load_idx %arg13[%parallel_loop3A_204, %parallel_loop3A_252] : memref<16x128xf32, #tpu.memory_space<vmem>>[vector<16xi32>, vector<16xi32>], vector<16xf32>,
            %parallel_loop3A_254 = arith.index_cast %select_n3A_123 : i32 to index
            %parallel_loop3A_255 = arith.index_cast %parallel_loop3A_207 : i32 to index
            %parallel_loop3A_256 = arith.constant 48 : index
            %parallel_loop3A_257 = tpu.vector_load %arg16[%parallel_loop3A_254, %parallel_loop3A_255, %parallel_loop3A_256] {strides = array<i32>} : memref<2x80x128xf32, #tpu.memory_space<vmem>>, vector<16xf32>,
            %parallel_loop3A_258 = arith.addf %parallel_loop3A_257, %parallel_loop3A_253 : vector<16xf32>
            %parallel_loop3A_259 = arith.mulf %parallel_loop3A_258, %parallel_loop3A_194 : vector<16xf32>
            %parallel_loop3A_260 = arith.index_cast %select_n3A_123 : i32 to index
            %parallel_loop3A_261 = arith.index_cast %parallel_loop3A_207 : i32 to index
            %parallel_loop3A_262 = arith.constant 48 : index
            %parallel_loop3A_263 = tpu.vector_load %arg17[%parallel_loop3A_260, %parallel_loop3A_261, %parallel_loop3A_262] {strides = array<i32>} : memref<2x80x128xf32, #tpu.memory_space<vmem>>, vector<16xf32>,
            tpu.vector_store %arg17[%parallel_loop3A_260, %parallel_loop3A_261, %parallel_loop3A_262], %parallel_loop3A_259 {strides = array<i32>} : memref<2x80x128xf32, #tpu.memory_space<vmem>>, vector<16xf32>,
            %parallel_loop3A_264 = arith.constant 64 : i32
            %parallel_loop3A_265 = vector.broadcast %parallel_loop3A_264 : i32 to vector<16xi32>
            %parallel_loop3A_266 = arith.addi %parallel_loop3A_265, %iota3A : vector<16xi32>
            %parallel_loop3A_267 = tpu.vector_load_idx %arg13[%parallel_loop3A_204, %parallel_loop3A_266] : memref<16x128xf32, #tpu.memory_space<vmem>>[vector<16xi32>, vector<16xi32>], vector<16xf32>,
            %parallel_loop3A_268 = arith.index_cast %select_n3A_123 : i32 to index
            %parallel_loop3A_269 = arith.index_cast %parallel_loop3A_207 : i32 to index
            %parallel_loop3A_270 = arith.constant 64 : index
            %parallel_loop3A_271 = tpu.vector_load %arg16[%parallel_loop3A_268, %parallel_loop3A_269, %parallel_loop3A_270] {strides = array<i32>} : memref<2x80x128xf32, #tpu.memory_space<vmem>>, vector<16xf32>,
            %parallel_loop3A_272 = arith.addf %parallel_loop3A_271, %parallel_loop3A_267 : vector<16xf32>
            %parallel_loop3A_273 = arith.mulf %parallel_loop3A_272, %parallel_loop3A_194 : vector<16xf32>
            %parallel_loop3A_274 = arith.index_cast %select_n3A_123 : i32 to index
            %parallel_loop3A_275 = arith.index_cast %parallel_loop3A_207 : i32 to index
            %parallel_loop3A_276 = arith.constant 64 : index
            %parallel_loop3A_277 = tpu.vector_load %arg17[%parallel_loop3A_274, %parallel_loop3A_275, %parallel_loop3A_276] {strides = array<i32>} : memref<2x80x128xf32, #tpu.memory_space<vmem>>, vector<16xf32>,
            tpu.vector_store %arg17[%parallel_loop3A_274, %parallel_loop3A_275, %parallel_loop3A_276], %parallel_loop3A_273 {strides = array<i32>} : memref<2x80x128xf32, #tpu.memory_space<vmem>>, vector<16xf32>,
            %parallel_loop3A_278 = arith.constant 80 : i32
            %parallel_loop3A_279 = vector.broadcast %parallel_loop3A_278 : i32 to vector<16xi32>
            %parallel_loop3A_280 = arith.addi %parallel_loop3A_279, %iota3A : vector<16xi32>
            %parallel_loop3A_281 = tpu.vector_load_idx %arg13[%parallel_loop3A_204, %parallel_loop3A_280] : memref<16x128xf32, #tpu.memory_space<vmem>>[vector<16xi32>, vector<16xi32>], vector<16xf32>,
            %parallel_loop3A_282 = arith.index_cast %select_n3A_123 : i32 to index
            %parallel_loop3A_283 = arith.index_cast %parallel_loop3A_207 : i32 to index
            %parallel_loop3A_284 = arith.constant 80 : index
            %parallel_loop3A_285 = tpu.vector_load %arg16[%parallel_loop3A_282, %parallel_loop3A_283, %parallel_loop3A_284] {strides = array<i32>} : memref<2x80x128xf32, #tpu.memory_space<vmem>>, vector<16xf32>,
            %parallel_loop3A_286 = arith.addf %parallel_loop3A_285, %parallel_loop3A_281 : vector<16xf32>
            %parallel_loop3A_287 = arith.mulf %parallel_loop3A_286, %parallel_loop3A_194 : vector<16xf32>
            %parallel_loop3A_288 = arith.index_cast %select_n3A_123 : i32 to index
            %parallel_loop3A_289 = arith.index_cast %parallel_loop3A_207 : i32 to index
            %parallel_loop3A_290 = arith.constant 80 : index
            %parallel_loop3A_291 = tpu.vector_load %arg17[%parallel_loop3A_288, %parallel_loop3A_289, %parallel_loop3A_290] {strides = array<i32>} : memref<2x80x128xf32, #tpu.memory_space<vmem>>, vector<16xf32>,
            tpu.vector_store %arg17[%parallel_loop3A_288, %parallel_loop3A_289, %parallel_loop3A_290], %parallel_loop3A_287 {strides = array<i32>} : memref<2x80x128xf32, #tpu.memory_space<vmem>>, vector<16xf32>,
            %parallel_loop3A_292 = arith.constant 96 : i32
            %parallel_loop3A_293 = vector.broadcast %parallel_loop3A_292 : i32 to vector<16xi32>
            %parallel_loop3A_294 = arith.addi %parallel_loop3A_293, %iota3A : vector<16xi32>
            %parallel_loop3A_295 = tpu.vector_load_idx %arg13[%parallel_loop3A_204, %parallel_loop3A_294] : memref<16x128xf32, #tpu.memory_space<vmem>>[vector<16xi32>, vector<16xi32>], vector<16xf32>,
            %parallel_loop3A_296 = arith.index_cast %select_n3A_123 : i32 to index
            %parallel_loop3A_297 = arith.index_cast %parallel_loop3A_207 : i32 to index
            %parallel_loop3A_298 = arith.constant 96 : index
            %parallel_loop3A_299 = tpu.vector_load %arg16[%parallel_loop3A_296, %parallel_loop3A_297, %parallel_loop3A_298] {strides = array<i32>} : memref<2x80x128xf32, #tpu.memory_space<vmem>>, vector<16xf32>,
            %parallel_loop3A_300 = arith.addf %parallel_loop3A_299, %parallel_loop3A_295 : vector<16xf32>
            %parallel_loop3A_301 = arith.mulf %parallel_loop3A_300, %parallel_loop3A_194 : vector<16xf32>
            %parallel_loop3A_302 = arith.index_cast %select_n3A_123 : i32 to index
            %parallel_loop3A_303 = arith.index_cast %parallel_loop3A_207 : i32 to index
            %parallel_loop3A_304 = arith.constant 96 : index
            %parallel_loop3A_305 = tpu.vector_load %arg17[%parallel_loop3A_302, %parallel_loop3A_303, %parallel_loop3A_304] {strides = array<i32>} : memref<2x80x128xf32, #tpu.memory_space<vmem>>, vector<16xf32>,
            tpu.vector_store %arg17[%parallel_loop3A_302, %parallel_loop3A_303, %parallel_loop3A_304], %parallel_loop3A_301 {strides = array<i32>} : memref<2x80x128xf32, #tpu.memory_space<vmem>>, vector<16xf32>,
            %parallel_loop3A_306 = arith.constant 112 : i32
            %parallel_loop3A_307 = vector.broadcast %parallel_loop3A_306 : i32 to vector<16xi32>
            %parallel_loop3A_308 = arith.addi %parallel_loop3A_307, %iota3A : vector<16xi32>
            %parallel_loop3A_309 = tpu.vector_load_idx %arg13[%parallel_loop3A_204, %parallel_loop3A_308] : memref<16x128xf32, #tpu.memory_space<vmem>>[vector<16xi32>, vector<16xi32>], vector<16xf32>,
            %parallel_loop3A_310 = arith.index_cast %select_n3A_123 : i32 to index
            %parallel_loop3A_311 = arith.index_cast %parallel_loop3A_207 : i32 to index
            %parallel_loop3A_312 = arith.constant 112 : index
            %parallel_loop3A_313 = tpu.vector_load %arg16[%parallel_loop3A_310, %parallel_loop3A_311, %parallel_loop3A_312] {strides = array<i32>} : memref<2x80x128xf32, #tpu.memory_space<vmem>>, vector<16xf32>,
            %parallel_loop3A_314 = arith.addf %parallel_loop3A_313, %parallel_loop3A_309 : vector<16xf32>
            %parallel_loop3A_315 = arith.mulf %parallel_loop3A_314, %parallel_loop3A_194 : vector<16xf32>
            %parallel_loop3A_316 = arith.index_cast %select_n3A_123 : i32 to index
            %parallel_loop3A_317 = arith.index_cast %parallel_loop3A_207 : i32 to index
            %parallel_loop3A_318 = arith.constant 112 : index
            %parallel_loop3A_319 = tpu.vector_load %arg17[%parallel_loop3A_316, %parallel_loop3A_317, %parallel_loop3A_318] {strides = array<i32>} : memref<2x80x128xf32, #tpu.memory_space<vmem>>, vector<16xf32>,
            tpu.vector_store %arg17[%parallel_loop3A_316, %parallel_loop3A_317, %parallel_loop3A_318], %parallel_loop3A_315 {strides = array<i32>} : memref<2x80x128xf32, #tpu.memory_space<vmem>>, vector<16xf32>,
          } {sc.loop_unroll_factor = 4 : i64, sc.parallel_access}
        }
        %scan3A_143 = arith.constant 5 : i32
        %eq3A_144 = arith.constant 0 : i32
        %eq3A_145 = arith.cmpi eq, %select_n3A_123, %eq3A_144 : i32
        %convert_element_type3A_146 = arith.extui %eq3A_145 : i1 to i32
        %cond3A_147 = arith.constant 0 : i32
        %cond3A_148 = arith.cmpi ne, %convert_element_type3A_146, %cond3A_147 : i32
        scf.if %cond3A_148 {
          %dma_start3A_158 = arith.constant 0 : i32
          %dma_start3A_159 = arith.constant 0 : i32
          %dma_start3A_160 = arith.constant 0 : i32
          %dma_start3A_161 = tpu.memref_slice %arg17[%dma_start3A_158, %dma_start3A_159, %dma_start3A_160] : memref<2x80x128xf32, #tpu.memory_space<vmem>> -> memref<1x80x128xf32, #tpu.memory_space<vmem>>
          %dma_start3A_162 = tpu.memref_squeeze %dma_start3A_161 : memref<1x80x128xf32, #tpu.memory_space<vmem>> -> memref<80x128xf32, #tpu.memory_space<vmem>>
          %dma_start3A_163 = arith.constant 0 : i32
          %dma_start3A_164 = tpu.memref_slice %arg15[%scan3A_112, %dma_start3A_163] : memref<10x80xi32, #tpu.memory_space<vmem>> -> memref<1x80xi32, #tpu.memory_space<vmem>>
          %dma_start3A_165 = tpu.memref_squeeze %dma_start3A_164 : memref<1x80xi32, #tpu.memory_space<vmem>> -> memref<80xi32, #tpu.memory_space<vmem>>
          %dma_start3A_166 = arith.constant 0 : i32
          %dma_start3A_167 = arith.constant 0 : i32
          %dma_start3A_168 = tpu.memref_slice %arg10[%dma_start3A_166, %dma_start3A_167] : memref<10000x128xf32, #tpu.memory_space<vmem_shared>> -> memref<10000x128xf32, #tpu.memory_space<vmem_shared>>
          tpu.enqueue_indirect_dma source(%dma_start3A_162 : memref<80x128xf32, #tpu.memory_space<vmem>>) target(%dma_start3A_168 : memref<10000x128xf32, #tpu.memory_space<vmem_shared>>) offsets(%dma_start3A_165 : memref<80xi32, #tpu.memory_space<vmem>>) semaphore(%arg23 : memref<!tpu.dma_semaphore, #tpu.memory_space<semaphore_mem>>) {add = true}
        } else {
        }
        %eq3A_149 = arith.constant 1 : i32
        %eq3A_150 = arith.cmpi eq, %select_n3A_123, %eq3A_149 : i32
        %convert_element_type3A_151 = arith.extui %eq3A_150 : i1 to i32
        %cond3A_152 = arith.constant 0 : i32
        %cond3A_153 = arith.cmpi ne, %convert_element_type3A_151, %cond3A_152 : i32
        scf.if %cond3A_153 {
          %dma_start3A_158 = arith.constant 1 : i32
          %dma_start3A_159 = arith.constant 0 : i32
          %dma_start3A_160 = arith.constant 0 : i32
          %dma_start3A_161 = tpu.memref_slice %arg17[%dma_start3A_158, %dma_start3A_159, %dma_start3A_160] : memref<2x80x128xf32, #tpu.memory_space<vmem>> -> memref<1x80x128xf32, #tpu.memory_space<vmem>>
          %dma_start3A_162 = tpu.memref_squeeze %dma_start3A_161 : memref<1x80x128xf32, #tpu.memory_space<vmem>> -> memref<80x128xf32, #tpu.memory_space<vmem>>
          %dma_start3A_163 = arith.constant 0 : i32
          %dma_start3A_164 = tpu.memref_slice %arg15[%scan3A_112, %dma_start3A_163] : memref<10x80xi32, #tpu.memory_space<vmem>> -> memref<1x80xi32, #tpu.memory_space<vmem>>
          %dma_start3A_165 = tpu.memref_squeeze %dma_start3A_164 : memref<1x80xi32, #tpu.memory_space<vmem>> -> memref<80xi32, #tpu.memory_space<vmem>>
          %dma_start3A_166 = arith.constant 0 : i32
          %dma_start3A_167 = arith.constant 0 : i32
          %dma_start3A_168 = tpu.memref_slice %arg10[%dma_start3A_166, %dma_start3A_167] : memref<10000x128xf32, #tpu.memory_space<vmem_shared>> -> memref<10000x128xf32, #tpu.memory_space<vmem_shared>>
          tpu.enqueue_indirect_dma source(%dma_start3A_162 : memref<80x128xf32, #tpu.memory_space<vmem>>) target(%dma_start3A_168 : memref<10000x128xf32, #tpu.memory_space<vmem_shared>>) offsets(%dma_start3A_165 : memref<80xi32, #tpu.memory_space<vmem>>) semaphore(%arg24 : memref<!tpu.dma_semaphore, #tpu.memory_space<semaphore_mem>>) {add = true}
        } else {
        }
        %le3A = arith.constant 7 : i32
        %le3A_154 = arith.cmpi sle, %scan3A_112, %le3A : i32
        %convert_element_type3A_155 = arith.extui %le3A_154 : i1 to i32
        %cond3A_156 = arith.constant 0 : i32
        %cond3A_157 = arith.cmpi ne, %convert_element_type3A_155, %cond3A_156 : i32
        scf.if %cond3A_157 {
          %eq3A_158 = arith.constant 0 : i32
          %eq3A_159 = arith.cmpi eq, %select_n3A_123, %eq3A_158 : i32
          %convert_element_type3A_160 = arith.extui %eq3A_159 : i1 to i32
          %cond3A_161 = arith.constant 0 : i32
          %cond3A_162 = arith.cmpi ne, %convert_element_type3A_160, %cond3A_161 : i32
          scf.if %cond3A_162 {
            %add3A_168 = arith.constant 2 : i32
            %add3A_169 = arith.addi %scan3A_112, %add3A_168 : i32
            %dma_start3A_170 = arith.constant 0 : i32
            %dma_start3A_171 = arith.constant 0 : i32
            %dma_start3A_172 = arith.constant 0 : i32
            %dma_start3A_173 = tpu.memref_slice %arg16[%dma_start3A_170, %dma_start3A_171, %dma_start3A_172] : memref<2x80x128xf32, #tpu.memory_space<vmem>> -> memref<1x80x128xf32, #tpu.memory_space<vmem>>
            %dma_start3A_174 = tpu.memref_squeeze %dma_start3A_173 : memref<1x80x128xf32, #tpu.memory_space<vmem>> -> memref<80x128xf32, #tpu.memory_space<vmem>>
            %dma_start3A_175 = arith.constant 0 : i32
            %dma_start3A_176 = tpu.memref_slice %arg14[%add3A_169, %dma_start3A_175] : memref<10x160xi32, #tpu.memory_space<vmem>> -> memref<1x80xi32, #tpu.memory_space<vmem>>
            %dma_start3A_177 = tpu.memref_squeeze %dma_start3A_176 : memref<1x80xi32, #tpu.memory_space<vmem>> -> memref<80xi32, #tpu.memory_space<vmem>>
            %dma_start3A_178 = arith.constant 0 : i32
            %dma_start3A_179 = arith.constant 0 : i32
            %dma_start3A_180 = tpu.memref_slice %arg2[%dma_start3A_178, %dma_start3A_179] : memref<20000x128xf32, #tpu.memory_space<hbm>> -> memref<20000x128xf32, #tpu.memory_space<hbm>>
            tpu.enqueue_indirect_dma source(%dma_start3A_180 : memref<20000x128xf32, #tpu.memory_space<hbm>>) target(%dma_start3A_174 : memref<80x128xf32, #tpu.memory_space<vmem>>) offsets(%dma_start3A_177 : memref<80xi32, #tpu.memory_space<vmem>>) semaphore(%arg19 : memref<!tpu.dma_semaphore, #tpu.memory_space<semaphore_mem>>)
            %dma_start3A_181 = arith.constant 0 : i32
            %dma_start3A_182 = arith.constant 0 : i32
            %dma_start3A_183 = tpu.memref_slice %arg18[%dma_start3A_181, %dma_start3A_182] : memref<2x80xf32, #tpu.memory_space<vmem>> -> memref<1x80xf32, #tpu.memory_space<vmem>>
            %dma_start3A_184 = tpu.memref_squeeze %dma_start3A_183 : memref<1x80xf32, #tpu.memory_space<vmem>> -> memref<80xf32, #tpu.memory_space<vmem>>
            %dma_start3A_185 = arith.constant 0 : i32
            %dma_start3A_186 = tpu.memref_slice %arg14[%add3A_169, %dma_start3A_185] : memref<10x160xi32, #tpu.memory_space<vmem>> -> memref<1x80xi32, #tpu.memory_space<vmem>>
            %dma_start3A_187 = tpu.memref_squeeze %dma_start3A_186 : memref<1x80xi32, #tpu.memory_space<vmem>> -> memref<80xi32, #tpu.memory_space<vmem>>
            %dma_start3A_188 = arith.constant 0 : i32
            %dma_start3A_189 = tpu.memref_slice %arg11[%dma_start3A_188] : memref<20000xf32, #tpu.memory_space<vmem_shared>> -> memref<20000xf32, #tpu.memory_space<vmem_shared>>
            tpu.enqueue_indirect_dma source(%dma_start3A_189 : memref<20000xf32, #tpu.memory_space<vmem_shared>>) target(%dma_start3A_184 : memref<80xf32, #tpu.memory_space<vmem>>) offsets(%dma_start3A_187 : memref<80xi32, #tpu.memory_space<vmem>>) semaphore(%arg21 : memref<!tpu.dma_semaphore, #tpu.memory_space<semaphore_mem>>)
          } else {
          }
          %eq3A_163 = arith.constant 1 : i32
          %eq3A_164 = arith.cmpi eq, %select_n3A_123, %eq3A_163 : i32
          %convert_element_type3A_165 = arith.extui %eq3A_164 : i1 to i32
          %cond3A_166 = arith.constant 0 : i32
          %cond3A_167 = arith.cmpi ne, %convert_element_type3A_165, %cond3A_166 : i32
          scf.if %cond3A_167 {
            %add3A_168 = arith.constant 2 : i32
            %add3A_169 = arith.addi %scan3A_112, %add3A_168 : i32
            %dma_start3A_170 = arith.constant 1 : i32
            %dma_start3A_171 = arith.constant 0 : i32
            %dma_start3A_172 = arith.constant 0 : i32
            %dma_start3A_173 = tpu.memref_slice %arg16[%dma_start3A_170, %dma_start3A_171, %dma_start3A_172] : memref<2x80x128xf32, #tpu.memory_space<vmem>> -> memref<1x80x128xf32, #tpu.memory_space<vmem>>
            %dma_start3A_174 = tpu.memref_squeeze %dma_start3A_173 : memref<1x80x128xf32, #tpu.memory_space<vmem>> -> memref<80x128xf32, #tpu.memory_space<vmem>>
            %dma_start3A_175 = arith.constant 0 : i32
            %dma_start3A_176 = tpu.memref_slice %arg14[%add3A_169, %dma_start3A_175] : memref<10x160xi32, #tpu.memory_space<vmem>> -> memref<1x80xi32, #tpu.memory_space<vmem>>
            %dma_start3A_177 = tpu.memref_squeeze %dma_start3A_176 : memref<1x80xi32, #tpu.memory_space<vmem>> -> memref<80xi32, #tpu.memory_space<vmem>>
            %dma_start3A_178 = arith.constant 0 : i32
            %dma_start3A_179 = arith.constant 0 : i32
            %dma_start3A_180 = tpu.memref_slice %arg2[%dma_start3A_178, %dma_start3A_179] : memref<20000x128xf32, #tpu.memory_space<hbm>> -> memref<20000x128xf32, #tpu.memory_space<hbm>>
            tpu.enqueue_indirect_dma source(%dma_start3A_180 : memref<20000x128xf32, #tpu.memory_space<hbm>>) target(%dma_start3A_174 : memref<80x128xf32, #tpu.memory_space<vmem>>) offsets(%dma_start3A_177 : memref<80xi32, #tpu.memory_space<vmem>>) semaphore(%arg20 : memref<!tpu.dma_semaphore, #tpu.memory_space<semaphore_mem>>)
            %dma_start3A_181 = arith.constant 1 : i32
            %dma_start3A_182 = arith.constant 0 : i32
            %dma_start3A_183 = tpu.memref_slice %arg18[%dma_start3A_181, %dma_start3A_182] : memref<2x80xf32, #tpu.memory_space<vmem>> -> memref<1x80xf32, #tpu.memory_space<vmem>>
            %dma_start3A_184 = tpu.memref_squeeze %dma_start3A_183 : memref<1x80xf32, #tpu.memory_space<vmem>> -> memref<80xf32, #tpu.memory_space<vmem>>
            %dma_start3A_185 = arith.constant 0 : i32
            %dma_start3A_186 = tpu.memref_slice %arg14[%add3A_169, %dma_start3A_185] : memref<10x160xi32, #tpu.memory_space<vmem>> -> memref<1x80xi32, #tpu.memory_space<vmem>>
            %dma_start3A_187 = tpu.memref_squeeze %dma_start3A_186 : memref<1x80xi32, #tpu.memory_space<vmem>> -> memref<80xi32, #tpu.memory_space<vmem>>
            %dma_start3A_188 = arith.constant 0 : i32
            %dma_start3A_189 = tpu.memref_slice %arg11[%dma_start3A_188] : memref<20000xf32, #tpu.memory_space<vmem_shared>> -> memref<20000xf32, #tpu.memory_space<vmem_shared>>
            tpu.enqueue_indirect_dma source(%dma_start3A_189 : memref<20000xf32, #tpu.memory_space<vmem_shared>>) target(%dma_start3A_184 : memref<80xf32, #tpu.memory_space<vmem>>) offsets(%dma_start3A_187 : memref<80xi32, #tpu.memory_space<vmem>>) semaphore(%arg22 : memref<!tpu.dma_semaphore, #tpu.memory_space<semaphore_mem>>)
          } else {
          }
        } else {
        }
      }
      %scan3A_111 = arith.constant 10 : i32
    }
    %scan3A_18 = arith.constant 25 : i32
    %dma_wait3A = arith.constant 0 : i32
    %dma_wait3A_19 = arith.constant 0 : i32
    %dma_wait3A_20 = arith.constant 0 : i32
    %dma_wait3A_21 = arith.constant 0 : i32
    %dma_wait3A_22 = tpu.memref_slice %arg17[%dma_wait3A, %dma_wait3A_20, %dma_wait3A_21] : memref<2x80x128xf32, #tpu.memory_space<vmem>> -> memref<1x80x128xf32, #tpu.memory_space<vmem>>
    %dma_wait3A_23 = tpu.memref_squeeze %dma_wait3A_22 : memref<1x80x128xf32, #tpu.memory_space<vmem>> -> memref<80x128xf32, #tpu.memory_space<vmem>>
    %dma_wait3A_24 = arith.constant 0 : i32
    %dma_wait3A_25 = tpu.memref_slice %arg15[%dma_wait3A_19, %dma_wait3A_24] : memref<10x80xi32, #tpu.memory_space<vmem>> -> memref<1x80xi32, #tpu.memory_space<vmem>>
    %dma_wait3A_26 = tpu.memref_squeeze %dma_wait3A_25 : memref<1x80xi32, #tpu.memory_space<vmem>> -> memref<80xi32, #tpu.memory_space<vmem>>
    %dma_wait3A_27 = arith.constant 0 : i32
    %dma_wait3A_28 = arith.constant 0 : i32
    %dma_wait3A_29 = tpu.memref_slice %arg10[%dma_wait3A_27, %dma_wait3A_28] : memref<10000x128xf32, #tpu.memory_space<vmem_shared>> -> memref<10000x128xf32, #tpu.memory_space<vmem_shared>>
    tpu.wait_indirect_dma semaphore(%arg23 : memref<!tpu.dma_semaphore, #tpu.memory_space<semaphore_mem>>) src(%dma_wait3A_23 : memref<80x128xf32, #tpu.memory_space<vmem>>) dst(%dma_wait3A_29 : memref<10000x128xf32, #tpu.memory_space<vmem_shared>>)
    %dma_wait3A_30 = arith.constant 1 : i32
    %dma_wait3A_31 = arith.constant 0 : i32
    %dma_wait3A_32 = arith.constant 0 : i32
    %dma_wait3A_33 = arith.constant 0 : i32
    %dma_wait3A_34 = tpu.memref_slice %arg17[%dma_wait3A_30, %dma_wait3A_32, %dma_wait3A_33] : memref<2x80x128xf32, #tpu.memory_space<vmem>> -> memref<1x80x128xf32, #tpu.memory_space<vmem>>
    %dma_wait3A_35 = tpu.memref_squeeze %dma_wait3A_34 : memref<1x80x128xf32, #tpu.memory_space<vmem>> -> memref<80x128xf32, #tpu.memory_space<vmem>>
    %dma_wait3A_36 = arith.constant 0 : i32
    %dma_wait3A_37 = tpu.memref_slice %arg15[%dma_wait3A_31, %dma_wait3A_36] : memref<10x80xi32, #tpu.memory_space<vmem>> -> memref<1x80xi32, #tpu.memory_space<vmem>>
    %dma_wait3A_38 = tpu.memref_squeeze %dma_wait3A_37 : memref<1x80xi32, #tpu.memory_space<vmem>> -> memref<80xi32, #tpu.memory_space<vmem>>
    %dma_wait3A_39 = arith.constant 0 : i32
    %dma_wait3A_40 = arith.constant 0 : i32
    %dma_wait3A_41 = tpu.memref_slice %arg10[%dma_wait3A_39, %dma_wait3A_40] : memref<10000x128xf32, #tpu.memory_space<vmem_shared>> -> memref<10000x128xf32, #tpu.memory_space<vmem_shared>>
    tpu.wait_indirect_dma semaphore(%arg24 : memref<!tpu.dma_semaphore, #tpu.memory_space<semaphore_mem>>) src(%dma_wait3A_35 : memref<80x128xf32, #tpu.memory_space<vmem>>) dst(%dma_wait3A_41 : memref<10000x128xf32, #tpu.memory_space<vmem_shared>>)
    %barrier3A_42 = arith.constant 0 : index
    tpu.barrier barrier_id(%barrier3A_42)
    %lt3A_43 = arith.constant 15 : i32
    %lt3A_44 = arith.cmpi slt, %arg1, %lt3A_43 : i32
    %convert_element_type3A_45 = arith.extui %lt3A_44 : i1 to i32
    %cond3A_46 = arith.constant 0 : i32
    %cond3A_47 = arith.cmpi ne, %convert_element_type3A_45, %cond3A_46 : i32
    scf.if %cond3A_47 {
      "tpu.region"() ({
        %run_scoped3A = tpu.sem_alloc : memref<!tpu.dma_semaphore, #tpu.memory_space<semaphore_mem>>
        %dma_start3A = arith.constant 0 : i32
        %dma_start3A_53 = tpu.memref_slice %arg9[%arg0, %mul3A_0, %dma_start3A] : memref<2x10000x128xf32, #tpu.memory_space<hbm>> -> memref<1x640x128xf32, #tpu.memory_space<hbm>>
        %dma_start3A_54 = tpu.memref_squeeze %dma_start3A_53 : memref<1x640x128xf32, #tpu.memory_space<hbm>> -> memref<640x128xf32, #tpu.memory_space<hbm>>
        %dma_start3A_55 = arith.constant 0 : i32
        %dma_start3A_56 = tpu.memref_slice %arg10[%mul3A_0, %dma_start3A_55] : memref<10000x128xf32, #tpu.memory_space<vmem_shared>> -> memref<640x128xf32, #tpu.memory_space<vmem_shared>>
        tpu.enqueue_dma source(%dma_start3A_56 : memref<640x128xf32, #tpu.memory_space<vmem_shared>>) target(%dma_start3A_54 : memref<640x128xf32, #tpu.memory_space<hbm>>) target_semaphore(%run_scoped3A : memref<!tpu.dma_semaphore, #tpu.memory_space<semaphore_mem>>)
        %dma_wait3A_57 = arith.constant 0 : i32
        %dma_wait3A_58 = tpu.memref_slice %arg9[%arg0, %mul3A_0, %dma_wait3A_57] : memref<2x10000x128xf32, #tpu.memory_space<hbm>> -> memref<1x640x128xf32, #tpu.memory_space<hbm>>
        %dma_wait3A_59 = tpu.memref_squeeze %dma_wait3A_58 : memref<1x640x128xf32, #tpu.memory_space<hbm>> -> memref<640x128xf32, #tpu.memory_space<hbm>>
        %dma_wait3A_60 = arith.constant 0 : i32
        %dma_wait3A_61 = tpu.memref_slice %arg10[%mul3A_0, %dma_wait3A_60] : memref<10000x128xf32, #tpu.memory_space<vmem_shared>> -> memref<640x128xf32, #tpu.memory_space<vmem_shared>>
        tpu.wait_dma2 semaphore(%run_scoped3A : memref<!tpu.dma_semaphore, #tpu.memory_space<semaphore_mem>>) src(%dma_wait3A_61 : memref<640x128xf32, #tpu.memory_space<vmem_shared>>) dst(%dma_wait3A_59 : memref<640x128xf32, #tpu.memory_space<hbm>>)
        tpu.yield
      }) : () -> ()
    } else {
    }
    %eq3A_48 = arith.constant 15 : i32
    %eq3A_49 = arith.cmpi eq, %arg1, %eq3A_48 : i32
    %convert_element_type3A_50 = arith.extui %eq3A_49 : i1 to i32
    %cond3A_51 = arith.constant 0 : i32
    %cond3A_52 = arith.cmpi ne, %convert_element_type3A_50, %cond3A_51 : i32
    scf.if %cond3A_52 {
      "tpu.region"() ({
        %run_scoped3A = tpu.sem_alloc : memref<!tpu.dma_semaphore, #tpu.memory_space<semaphore_mem>>
        %dma_start3A = arith.constant 9600 : i32
        %dma_start3A_53 = arith.constant 0 : i32
        %dma_start3A_54 = tpu.memref_slice %arg9[%arg0, %dma_start3A, %dma_start3A_53] : memref<2x10000x128xf32, #tpu.memory_space<hbm>> -> memref<1x400x128xf32, #tpu.memory_space<hbm>>
        %dma_start3A_55 = tpu.memref_squeeze %dma_start3A_54 : memref<1x400x128xf32, #tpu.memory_space<hbm>> -> memref<400x128xf32, #tpu.memory_space<hbm>>
        %dma_start3A_56 = arith.constant 9600 : i32
        %dma_start3A_57 = arith.constant 0 : i32
        %dma_start3A_58 = tpu.memref_slice %arg10[%dma_start3A_56, %dma_start3A_57] : memref<10000x128xf32, #tpu.memory_space<vmem_shared>> -> memref<400x128xf32, #tpu.memory_space<vmem_shared>>
        tpu.enqueue_dma source(%dma_start3A_58 : memref<400x128xf32, #tpu.memory_space<vmem_shared>>) target(%dma_start3A_55 : memref<400x128xf32, #tpu.memory_space<hbm>>) target_semaphore(%run_scoped3A : memref<!tpu.dma_semaphore, #tpu.memory_space<semaphore_mem>>)
        %dma_wait3A_59 = arith.constant 9600 : i32
        %dma_wait3A_60 = arith.constant 0 : i32
        %dma_wait3A_61 = tpu.memref_slice %arg9[%arg0, %dma_wait3A_59, %dma_wait3A_60] : memref<2x10000x128xf32, #tpu.memory_space<hbm>> -> memref<1x400x128xf32, #tpu.memory_space<hbm>>
        %dma_wait3A_62 = tpu.memref_squeeze %dma_wait3A_61 : memref<1x400x128xf32, #tpu.memory_space<hbm>> -> memref<400x128xf32, #tpu.memory_space<hbm>>
        %dma_wait3A_63 = arith.constant 9600 : i32
        %dma_wait3A_64 = arith.constant 0 : i32
        %dma_wait3A_65 = tpu.memref_slice %arg10[%dma_wait3A_63, %dma_wait3A_64] : memref<10000x128xf32, #tpu.memory_space<vmem_shared>> -> memref<400x128xf32, #tpu.memory_space<vmem_shared>>
        tpu.wait_dma2 semaphore(%run_scoped3A : memref<!tpu.dma_semaphore, #tpu.memory_space<semaphore_mem>>) src(%dma_wait3A_65 : memref<400x128xf32, #tpu.memory_space<vmem_shared>>) dst(%dma_wait3A_62 : memref<400x128xf32, #tpu.memory_space<hbm>>)
        tpu.yield
      }) : () -> ()
    } else {
    }
    return
  }
}

module attributes {stable_mosaic.version = 14 : i64} {
  func.func @_dense_body(%arg0: i32, %arg1: memref<1000x128xf32, #tpu.memory_space<vmem>>, %arg2: memref<128x128xf32, #tpu.memory_space<vmem>>, %arg3: memref<1x128xf32, #tpu.memory_space<vmem>>, %arg4: memref<128x128xf32, #tpu.memory_space<vmem>>, %arg5: memref<1x1xf32, #tpu.memory_space<vmem>>, %arg6: memref<128x128xf32, #tpu.memory_space<vmem>>, %arg7: memref<128x128xf32, #tpu.memory_space<vmem>>, %arg8: memref<128x128xf32, #tpu.memory_space<vmem>>, %arg9: memref<128x128xf32, #tpu.memory_space<vmem>>, %arg10: memref<1000x128xf32, #tpu.memory_space<vmem>>, %arg11: memref<1000x128xf32, #tpu.memory_space<vmem>>, %arg12: memref<1000x128xf32, #tpu.memory_space<vmem>>, %arg13: memref<1000x128xf32, #tpu.memory_space<vmem>>, %arg14: memref<1000x128xf32, #tpu.memory_space<vmem>>) attributes {dimension_semantics = [#tpu.dimension_semantics<arbitrary>], iteration_bounds = array<i64: 10>, scalar_prefetch = 0 : i64, scratch_operands = 0 : i64, tpu.core_type = #tpu.core_type<tc>, window_params = [{transform_indices = @transform_0, window_bounds = array<i64: 1000, 128>}, {pipeline_mode = #tpu.pipeline_mode<synchronous>, transform_indices = @transform_1, window_bounds = array<i64: 128, 128>}, {pipeline_mode = #tpu.pipeline_mode<synchronous>, transform_indices = @transform_2, window_bounds = array<i64: 1, 128>}, {pipeline_mode = #tpu.pipeline_mode<synchronous>, transform_indices = @transform_3, window_bounds = array<i64: 128, 128>}, {pipeline_mode = #tpu.pipeline_mode<synchronous>, transform_indices = @transform_4, window_bounds = array<i64: 1, 1>}, {pipeline_mode = #tpu.pipeline_mode<synchronous>, transform_indices = @transform_5, window_bounds = array<i64: 128, 128>}, {pipeline_mode = #tpu.pipeline_mode<synchronous>, transform_indices = @transform_6, window_bounds = array<i64: 128, 128>}, {pipeline_mode = #tpu.pipeline_mode<synchronous>, transform_indices = @transform_7, window_bounds = array<i64: 128, 128>}, {pipeline_mode = #tpu.pipeline_mode<synchronous>, transform_indices = @transform_8, window_bounds = array<i64: 128, 128>}, {transform_indices = @transform_9, window_bounds = array<i64: 1000, 128>}, {transform_indices = @transform_10, window_bounds = array<i64: 1000, 128>}, {transform_indices = @transform_11, window_bounds = array<i64: 1000, 128>}, {transform_indices = @transform_12, window_bounds = array<i64: 1000, 128>}, {transform_indices = @transform_13, window_bounds = array<i64: 1000, 128>}]} {
    %get3A = arith.constant 0 : index
    %get3A_0 = arith.constant 0 : index
    %get3A_1 = vector.load %arg1[%get3A, %get3A_0] : memref<1000x128xf32, #tpu.memory_space<vmem>>, vector<1000x128xf32>
    %get3A_2 = arith.constant 0 : index
    %get3A_3 = arith.constant 0 : index
    %get3A_4 = vector.load %arg2[%get3A_2, %get3A_3] : memref<128x128xf32, #tpu.memory_space<vmem>>, vector<128x128xf32>
    %transpose3A = tpu.transpose %get3A_4, [1, 0] : vector<128x128xf32> -> vector<128x128xf32>
    %dot_general3A = arith.constant dense<0.000000e+00> : vector<1000x128xf32>
    %dot_general3A_5 = tpu.matmul %get3A_1, %transpose3A, %dot_general3A {dimension_numbers = #tpu.dot_dimension_numbers<[1], [0], [0], [1], [0, 0, 1, 1], [], []>, transpose_lhs_hint = false} : vector<1000x128xf32>, vector<128x128xf32>, vector<1000x128xf32> -> vector<1000x128xf32>
    %get3A_6 = arith.constant 0 : index
    %get3A_7 = arith.constant 0 : index
    %get3A_8 = vector.load %arg3[%get3A_6, %get3A_7] : memref<1x128xf32, #tpu.memory_space<vmem>>, vector<1x128xf32>
    %add3A = vector.broadcast %get3A_8 : vector<1x128xf32> to vector<1000x128xf32>
    %add3A_9 = arith.addf %dot_general3A_5, %add3A : vector<1000x128xf32>
    %get3A_10 = arith.constant 0 : index
    %get3A_11 = arith.constant 0 : index
    %get3A_12 = vector.load %arg4[%get3A_10, %get3A_11] : memref<128x128xf32, #tpu.memory_space<vmem>>, vector<128x128xf32>
    %dot_general3A_13 = arith.constant dense<0.000000e+00> : vector<1000x128xf32>
    %dot_general3A_14 = tpu.matmul %add3A_9, %get3A_12, %dot_general3A_13 {dimension_numbers = #tpu.dot_dimension_numbers<[1], [0], [0], [1], [0, 0, 1, 1], [], []>, transpose_lhs_hint = false} : vector<1000x128xf32>, vector<128x128xf32>, vector<1000x128xf32> -> vector<1000x128xf32>
    %get3A_15 = arith.constant 0 : index
    %get3A_16 = arith.constant 0 : index
    %get3A_17 = vector.load %arg5[%get3A_15, %get3A_16] : memref<1x1xf32, #tpu.memory_space<vmem>>, vector<1x1xf32>
    %get3A_18 = vector.extract %get3A_17[0, 0] : f32 from vector<1x1xf32>
    %add3A_19 = vector.broadcast %get3A_18 : f32 to vector<1000x128xf32>
    %add3A_20 = arith.addf %dot_general3A_14, %add3A_19 : vector<1000x128xf32>
    %neg3A = arith.constant 0.000000e+00 : f32
    %neg3A_21 = vector.broadcast %neg3A : f32 to vector<1000x128xf32>
    %neg3A_22 = arith.subf %neg3A_21, %add3A_20 : vector<1000x128xf32>
    %exp3A = math.exp %neg3A_22 : vector<1000x128xf32>
    %add3A_23 = arith.constant 1.000000e+00 : f32
    %add3A_24 = vector.broadcast %add3A_23 : f32 to vector<1000x128xf32>
    %add3A_25 = arith.addf %add3A_24, %exp3A : vector<1000x128xf32>
    %div3A = arith.constant 1.000000e+00 : f32
    %div3A_26 = vector.broadcast %div3A : f32 to vector<1000x128xf32>
    %div3A_27 = arith.divf %div3A_26, %add3A_25 : vector<1000x128xf32>
    %mul3A = arith.mulf %div3A_27, %add3A_9 : vector<1000x128xf32>
    %swap3A = arith.constant 0 : index
    %swap3A_28 = arith.constant 0 : index
    %swap3A_29 = vector.load %arg10[%swap3A, %swap3A_28] : memref<1000x128xf32, #tpu.memory_space<vmem>>, vector<1000x128xf32>
    tpu.vector_store %arg10[%swap3A, %swap3A_28], %mul3A {strides = array<i32>} : memref<1000x128xf32, #tpu.memory_space<vmem>>, vector<1000x128xf32>,
    %get3A_30 = arith.constant 0 : index
    %get3A_31 = arith.constant 0 : index
    %get3A_32 = vector.load %arg6[%get3A_30, %get3A_31] : memref<128x128xf32, #tpu.memory_space<vmem>>, vector<128x128xf32>
    %dot_general3A_33 = arith.constant dense<0.000000e+00> : vector<1000x128xf32>
    %dot_general3A_34 = tpu.matmul %get3A_1, %get3A_32, %dot_general3A_33 {dimension_numbers = #tpu.dot_dimension_numbers<[1], [0], [0], [1], [0, 0, 1, 1], [], []>, transpose_lhs_hint = false} : vector<1000x128xf32>, vector<128x128xf32>, vector<1000x128xf32> -> vector<1000x128xf32>
    %get3A_35 = arith.constant 0 : index
    %get3A_36 = arith.constant 0 : index
    %get3A_37 = vector.load %arg6[%get3A_35, %get3A_36] : memref<128x128xf32, #tpu.memory_space<vmem>>, vector<128x128xf32>
    %dot_general3A_38 = arith.constant dense<0.000000e+00> : vector<1000x128xf32>
    %dot_general3A_39 = tpu.matmul %dot_general3A_34, %get3A_37, %dot_general3A_38 {dimension_numbers = #tpu.dot_dimension_numbers<[1], [0], [0], [1], [0, 0, 1, 1], [], []>, transpose_lhs_hint = false} : vector<1000x128xf32>, vector<128x128xf32>, vector<1000x128xf32> -> vector<1000x128xf32>
    %swap3A_40 = arith.constant 0 : index
    %swap3A_41 = arith.constant 0 : index
    %swap3A_42 = vector.load %arg11[%swap3A_40, %swap3A_41] : memref<1000x128xf32, #tpu.memory_space<vmem>>, vector<1000x128xf32>
    tpu.vector_store %arg11[%swap3A_40, %swap3A_41], %dot_general3A_39 {strides = array<i32>} : memref<1000x128xf32, #tpu.memory_space<vmem>>, vector<1000x128xf32>,
    %get3A_43 = arith.constant 0 : index
    %get3A_44 = arith.constant 0 : index
    %get3A_45 = vector.load %arg7[%get3A_43, %get3A_44] : memref<128x128xf32, #tpu.memory_space<vmem>>, vector<128x128xf32>
    %dot_general3A_46 = arith.constant dense<0.000000e+00> : vector<1000x128xf32>
    %dot_general3A_47 = tpu.matmul %dot_general3A_39, %get3A_45, %dot_general3A_46 {dimension_numbers = #tpu.dot_dimension_numbers<[1], [0], [0], [1], [0, 0, 1, 1], [], []>, transpose_lhs_hint = false} : vector<1000x128xf32>, vector<128x128xf32>, vector<1000x128xf32> -> vector<1000x128xf32>
    %swap3A_48 = arith.constant 0 : index
    %swap3A_49 = arith.constant 0 : index
    %swap3A_50 = vector.load %arg12[%swap3A_48, %swap3A_49] : memref<1000x128xf32, #tpu.memory_space<vmem>>, vector<1000x128xf32>
    tpu.vector_store %arg12[%swap3A_48, %swap3A_49], %dot_general3A_47 {strides = array<i32>} : memref<1000x128xf32, #tpu.memory_space<vmem>>, vector<1000x128xf32>,
    %get3A_51 = arith.constant 0 : index
    %get3A_52 = arith.constant 0 : index
    %get3A_53 = vector.load %arg8[%get3A_51, %get3A_52] : memref<128x128xf32, #tpu.memory_space<vmem>>, vector<128x128xf32>
    %dot_general3A_54 = arith.constant dense<0.000000e+00> : vector<1000x128xf32>
    %dot_general3A_55 = tpu.matmul %get3A_1, %get3A_53, %dot_general3A_54 {dimension_numbers = #tpu.dot_dimension_numbers<[1], [0], [0], [1], [0, 0, 1, 1], [], []>, transpose_lhs_hint = false} : vector<1000x128xf32>, vector<128x128xf32>, vector<1000x128xf32> -> vector<1000x128xf32>
    %get3A_56 = arith.constant 0 : index
    %get3A_57 = arith.constant 0 : index
    %get3A_58 = vector.load %arg8[%get3A_56, %get3A_57] : memref<128x128xf32, #tpu.memory_space<vmem>>, vector<128x128xf32>
    %dot_general3A_59 = arith.constant dense<0.000000e+00> : vector<1000x128xf32>
    %dot_general3A_60 = tpu.matmul %dot_general3A_55, %get3A_58, %dot_general3A_59 {dimension_numbers = #tpu.dot_dimension_numbers<[1], [0], [0], [1], [0, 0, 1, 1], [], []>, transpose_lhs_hint = false} : vector<1000x128xf32>, vector<128x128xf32>, vector<1000x128xf32> -> vector<1000x128xf32>
    %swap3A_61 = arith.constant 0 : index
    %swap3A_62 = arith.constant 0 : index
    %swap3A_63 = vector.load %arg13[%swap3A_61, %swap3A_62] : memref<1000x128xf32, #tpu.memory_space<vmem>>, vector<1000x128xf32>
    tpu.vector_store %arg13[%swap3A_61, %swap3A_62], %dot_general3A_60 {strides = array<i32>} : memref<1000x128xf32, #tpu.memory_space<vmem>>, vector<1000x128xf32>,
    %get3A_64 = arith.constant 0 : index
    %get3A_65 = arith.constant 0 : index
    %get3A_66 = vector.load %arg9[%get3A_64, %get3A_65] : memref<128x128xf32, #tpu.memory_space<vmem>>, vector<128x128xf32>
    %dot_general3A_67 = arith.constant dense<0.000000e+00> : vector<1000x128xf32>
    %dot_general3A_68 = tpu.matmul %dot_general3A_60, %get3A_66, %dot_general3A_67 {dimension_numbers = #tpu.dot_dimension_numbers<[1], [0], [0], [1], [0, 0, 1, 1], [], []>, transpose_lhs_hint = false} : vector<1000x128xf32>, vector<128x128xf32>, vector<1000x128xf32> -> vector<1000x128xf32>
    %swap3A_69 = arith.constant 0 : index
    %swap3A_70 = arith.constant 0 : index
    %swap3A_71 = vector.load %arg14[%swap3A_69, %swap3A_70] : memref<1000x128xf32, #tpu.memory_space<vmem>>, vector<1000x128xf32>
    tpu.vector_store %arg14[%swap3A_69, %swap3A_70], %dot_general3A_68 {strides = array<i32>} : memref<1000x128xf32, #tpu.memory_space<vmem>>, vector<1000x128xf32>,
    return
  }
  func.func @transform_0(%arg0: i32) -> (i32, i32) {
    %c0_i32 = arith.constant 0 : i32
    %c0_i32_0 = arith.constant 0 : i32
    return %arg0, %c0_i32 : i32, i32
  }
  func.func @transform_1(%arg0: i32) -> (i32, i32) {
    %c0_i32 = arith.constant 0 : i32
    %c0_i32_0 = arith.constant 0 : i32
    %c0_i32_1 = arith.constant 0 : i32
    return %c0_i32, %c0_i32_0 : i32, i32
  }
  func.func @transform_2(%arg0: i32) -> (i32, i32) {
    %c0_i32 = arith.constant 0 : i32
    %c0_i32_0 = arith.constant 0 : i32
    %c0_i32_1 = arith.constant 0 : i32
    return %c0_i32, %c0_i32_0 : i32, i32
  }
  func.func @transform_3(%arg0: i32) -> (i32, i32) {
    %c0_i32 = arith.constant 0 : i32
    %c0_i32_0 = arith.constant 0 : i32
    %c0_i32_1 = arith.constant 0 : i32
    return %c0_i32, %c0_i32_0 : i32, i32
  }
  func.func @transform_4(%arg0: i32) -> (i32, i32) {
    %c0_i32 = arith.constant 0 : i32
    %c0_i32_0 = arith.constant 0 : i32
    %c0_i32_1 = arith.constant 0 : i32
    return %c0_i32, %c0_i32_0 : i32, i32
  }
  func.func @transform_5(%arg0: i32) -> (i32, i32) {
    %c0_i32 = arith.constant 0 : i32
    %c0_i32_0 = arith.constant 0 : i32
    %c0_i32_1 = arith.constant 0 : i32
    return %c0_i32, %c0_i32_0 : i32, i32
  }
  func.func @transform_6(%arg0: i32) -> (i32, i32) {
    %c0_i32 = arith.constant 0 : i32
    %c0_i32_0 = arith.constant 0 : i32
    %c0_i32_1 = arith.constant 0 : i32
    return %c0_i32, %c0_i32_0 : i32, i32
  }
  func.func @transform_7(%arg0: i32) -> (i32, i32) {
    %c0_i32 = arith.constant 0 : i32
    %c0_i32_0 = arith.constant 0 : i32
    %c0_i32_1 = arith.constant 0 : i32
    return %c0_i32, %c0_i32_0 : i32, i32
  }
  func.func @transform_8(%arg0: i32) -> (i32, i32) {
    %c0_i32 = arith.constant 0 : i32
    %c0_i32_0 = arith.constant 0 : i32
    %c0_i32_1 = arith.constant 0 : i32
    return %c0_i32, %c0_i32_0 : i32, i32
  }
  func.func @transform_9(%arg0: i32) -> (i32, i32) {
    %c0_i32 = arith.constant 0 : i32
    %c0_i32_0 = arith.constant 0 : i32
    return %arg0, %c0_i32 : i32, i32
  }
  func.func @transform_10(%arg0: i32) -> (i32, i32) {
    %c0_i32 = arith.constant 0 : i32
    %c0_i32_0 = arith.constant 0 : i32
    return %arg0, %c0_i32 : i32, i32
  }
  func.func @transform_11(%arg0: i32) -> (i32, i32) {
    %c0_i32 = arith.constant 0 : i32
    %c0_i32_0 = arith.constant 0 : i32
    return %arg0, %c0_i32 : i32, i32
  }
  func.func @transform_12(%arg0: i32) -> (i32, i32) {
    %c0_i32 = arith.constant 0 : i32
    %c0_i32_0 = arith.constant 0 : i32
    return %arg0, %c0_i32 : i32, i32
  }
  func.func @transform_13(%arg0: i32) -> (i32, i32) {
    %c0_i32 = arith.constant 0 : i32
    %c0_i32_0 = arith.constant 0 : i32
    return %arg0, %c0_i32 : i32, i32
  }
}

module attributes {stable_mosaic.version = 14 : i64} {
  func.func @_final_body(%arg0: i32, %arg1: memref<1000x128xf32, #tpu.memory_space<vmem>>, %arg2: memref<1000x128xf32, #tpu.memory_space<vmem>>, %arg3: memref<1000x128xf32, #tpu.memory_space<vmem>>, %arg4: memref<1000x128xf32, #tpu.memory_space<vmem>>) attributes {dimension_semantics = [#tpu.dimension_semantics<arbitrary>], iteration_bounds = array<i64: 10>, scalar_prefetch = 0 : i64, scratch_operands = 0 : i64, tpu.core_type = #tpu.core_type<tc>, window_params = [{transform_indices = @transform_0, window_bounds = array<i64: 1000, 128>}, {transform_indices = @transform_1, window_bounds = array<i64: 1000, 128>}, {transform_indices = @transform_2, window_bounds = array<i64: 1000, 128>}, {transform_indices = @transform_3, window_bounds = array<i64: 1000, 128>}]} {
    %get3A = arith.constant 0 : index
    %get3A_0 = arith.constant 0 : index
    %get3A_1 = vector.load %arg1[%get3A, %get3A_0] : memref<1000x128xf32, #tpu.memory_space<vmem>>, vector<1000x128xf32>
    %get3A_2 = arith.constant 0 : index
    %get3A_3 = arith.constant 0 : index
    %get3A_4 = vector.load %arg2[%get3A_2, %get3A_3] : memref<1000x128xf32, #tpu.memory_space<vmem>>, vector<1000x128xf32>
    %add3A = arith.addf %get3A_1, %get3A_4 : vector<1000x128xf32>
    %get3A_5 = arith.constant 0 : index
    %get3A_6 = arith.constant 0 : index
    %get3A_7 = vector.load %arg3[%get3A_5, %get3A_6] : memref<1000x128xf32, #tpu.memory_space<vmem>>, vector<1000x128xf32>
    %add3A_8 = arith.addf %add3A, %get3A_7 : vector<1000x128xf32>
    %max3A = arith.constant 0.000000e+00 : f32
    %max3A_9 = vector.broadcast %max3A : f32 to vector<1000x128xf32>
    %max3A_10 = arith.maximumf %add3A_8, %max3A_9 : vector<1000x128xf32>
    %swap3A = arith.constant 0 : index
    %swap3A_11 = arith.constant 0 : index
    %swap3A_12 = vector.load %arg4[%swap3A, %swap3A_11] : memref<1000x128xf32, #tpu.memory_space<vmem>>, vector<1000x128xf32>
    tpu.vector_store %arg4[%swap3A, %swap3A_11], %max3A_10 {strides = array<i32>} : memref<1000x128xf32, #tpu.memory_space<vmem>>, vector<1000x128xf32>,
    return
  }
  func.func @transform_0(%arg0: i32) -> (i32, i32) {
    %c0_i32 = arith.constant 0 : i32
    %c0_i32_0 = arith.constant 0 : i32
    return %arg0, %c0_i32 : i32, i32
  }
  func.func @transform_1(%arg0: i32) -> (i32, i32) {
    %c0_i32 = arith.constant 0 : i32
    %c0_i32_0 = arith.constant 0 : i32
    return %arg0, %c0_i32 : i32, i32
  }
  func.func @transform_2(%arg0: i32) -> (i32, i32) {
    %c0_i32 = arith.constant 0 : i32
    %c0_i32_0 = arith.constant 0 : i32
    return %arg0, %c0_i32 : i32, i32
  }
  func.func @transform_3(%arg0: i32) -> (i32, i32) {
    %c0_i32 = arith.constant 0 : i32
    %c0_i32_0 = arith.constant 0 : i32
    return %arg0, %c0_i32 : i32, i32
  }
}

</mosaic_0001>

<sc_bundles>
// kernel: kernel.5.cloned.1.call-start
scs
__scs_entry_jumppad:
0x0: {  	(pc) =	sbr.rel $0x88, $3  }
0x1: {  	(tag) =	ssettag $0x0;
	lr =	simm.s32 $0x1  }
0x2: {  	[smem:$0x3F92] =	sst lr;
	_ =	strace $0xD0000000  }
0x3: {  	_ = 	snop  }
0x4: {  	_ = 	snop  }
0x5: {  	_ = 	snop  }
0x6: {  	_ = 	snop  }
0x7: {  	_ = 	snop  }
__scs_overlays_trampoline_lowered:
0x8: {  	[smem:$0x3FA1] =	sst s0  }
0x9: {  	[smem:$0x3FA2] =	sst s1  }
0xa: {  	[smem:$0x3FA3] =	sst s2  }
0xb: {  	[smem:$0x3FA4] =	sst s3  }
0xc: {  	[smem:$0x3FA5] =	sst s4  }
0xd: {  	[smem:$0x3FA6] =	sst s5  }
0xe: {  	[smem:$0x3FA7] =	sst s6  }
0xf: {  	[smem:$0x3FA8] =	sst s7  }
0x10: {  	[smem:$0x3FA9] =	sst s8  }
0x11: {  	[smem:$0x3FAA] =	sst s9;
	s0 =	simm.s32 @!p0 $0x0  }
0x12: {  	s1 =	sld [smem:$0x3F90];
	s0 =	simm.s32 @p0 $0x1  }
0x13: {  	[smem:$0x3FAB] =	sst s0;
	s0 =	simm.s32 @!p1 $0x0  }
0x14: {  	s2 =	sld [smem:$0x3F8F];
	s0 =	simm.s32 @p1 $0x1  }
0x15: {  	[smem:$0x3FAC] =	sst s0;
	s0 =	simm.s32 @!p2 $0x0  }
0x16: {  	s3 =	sld [smem:$0x3FDB];
	s0 =	simm.s32 @p2 $0x1  }
0x17: {  	s4 =	simm.s32 $0x1BF5;
	[smem:$0x3FAE] =	sst s0  }
0x18: {  	s0 =	sld [smem:$0x3F91];
	_ =	swait.ge [sflag:s4], $0x0  }
0x19: {  	s7 =	sld [smem:$0x3F92]  }
0x1a: {  	s8 =	sadd.s32 $0xFFFFE003, lr  }
0x1b: {  	s9 =	sadd.s32 $0xFFFFFEF7, lr;
	s5 =	simm.s32 $0xFFFFFFFF;
	p2 =	slt.u32 s8, $0xFFFFF086  }
0x1c: {  	p1 =	slt.u32 s9, $0xF7A;
	s5 =	simm.s32 @!p2 $0x0  }
0x1d: {  	s5 =	simm.s32 @p1 $0x1;
	p0 =	seq.s32 s7, s2  }
0x1e: {  	s7 =	smul.u32 @!p0 $0xF7A, s2;
	p2 =	seq.s32 @!p0 s5, $0x0  }
0x1f: {  	s9 =	smul.u32 $0xF7A, s1;
	s8 =	simm.s32 @!p0 $0x1BF5;
	p2 =	por !p2, p0  }
0x20: {  	[sflag:s8] =	ssyncset.s32 @!p0 $0xFFFFF086;
	s6 =	sadd.s32 @!p0 s3, s7;
	s7 =	simm.s32 @!p0 $0x108  }
0x21: {  	s3 =	sadd.s32 s3, s9;
	s6 =	sadd.s32 @!p0 $0x88, s6;
	s7 =	simm.s32 @p2 $0x1082  }
0x22: {  	[simem:s7], [sflag:s8] =	dma.local @!p0 [hbm:s6], $0xF7A  }
0x23: {  	s9 =	sor.u32 $0xD0000000, s2;
	s6 =	simm.s32 $0x108;
	_ =	swait.ge @!p0 [sflag:s8], $0x0  }
0x24: {  	s3 =	sadd.s32 $0x88, s3;
	s6 =	simm.s32 @!p1 $0x1082;
	[sflag:s4] =	ssyncset.s32 $0xFFFFF086  }
0x25: {  	[simem:s6], [sflag:s4] =	dma.local [hbm:s3], $0xF7A  }
0x26: {  	[smem:$0x3F92] =	sst s1;
	(tag) =	ssettag s2;
	_ =	strace s9  }
0x27: {  	s1 =	sld [smem:$0x3FA2]  }
0x28: {  	s2 =	sld [smem:$0x3FA3]  }
0x29: {  	s4 =	sld [smem:$0x3FA5]  }
0x2a: {  	p0 =	seq.s32 s5, $0x0;
	s5 =	sld [smem:$0x3FA6]  }
0x2b: {  	s6 =	sld [smem:$0x3FA7]  }
0x2c: {  	s7 =	sld [smem:$0x3FA8]  }
0x2d: {  	s3 =	simm.s32 $0x108;
	s8 =	sld [smem:$0x3FA9]  }
0x2e: {  	s3 =	simm.s32 @!p0 $0x1082;
	s9 =	sld [smem:$0x3FAA]  }
0x2f: {  	lr =	sadd.s32 s0, s3;
	s0 =	sld [smem:$0x3FA1]  }
0x30: {  	s3 =	sld [smem:$0x3FA4]  }
0x31: {  	[smem:$0x3FAD] =	sst s10  }
0x32: {  	s10 =	sld [smem:$0x3FAB];
	_ =	sdelay $0x3  }
0x33: {  	p0 =	seq.s32 s10, $0x1;
	s10 =	sld [smem:$0x3FAD];
	_ =	sdelay $0x3  }
0x34: {  	[smem:$0x3FAD] =	sst s10  }
0x35: {  	s10 =	sld [smem:$0x3FAC];
	_ =	sdelay $0x3  }
0x36: {  	p1 =	seq.s32 s10, $0x1;
	s10 =	sld [smem:$0x3FAD];
	_ =	sdelay $0x3  }
0x37: {  	[smem:$0x3FAD] =	sst s10  }
0x38: {  	s10 =	sld [smem:$0x3FAE]  }
0x39: {  	_ = 	snop;
	(pc) =	sbr.ind lr, $3  }
0x3a: {  	_ = 	snop  }
0x3b: {  	_ = 	snop  }
0x3c: {  	p2 =	seq.s32 s10, $0x1;
	s10 =	sld [smem:$0x3FAD]  }
0x3d: {  	_ =	shalt  }
0x3e: {  	_ =	shalt  }
0x3f: {  	_ =	shalt  }
0x40: {  	_ =	shalt  }
0x41: {  	_ =	shalt  }
0x42: {  	_ =	shalt  }
0x43: {  	_ =	shalt  }
0x44: {  	_ =	shalt  }
0x45: {  	_ =	shalt  }
0x46: {  	_ =	shalt  }
0x47: {  	_ =	shalt  }
0x48: {  	_ =	shalt  }
0x49: {  	_ =	shalt  }
0x4a: {  	_ =	shalt  }
0x4b: {  	_ =	shalt  }
0x4c: {  	_ =	shalt  }
0x4d: {  	_ =	shalt  }
0x4e: {  	_ =	shalt  }
0x4f: {  	_ =	shalt  }
0x50: {  	_ =	shalt  }
0x51: {  	_ =	shalt  }
0x52: {  	_ =	shalt  }
0x53: {  	_ =	shalt  }
0x54: {  	_ =	shalt  }
0x55: {  	_ =	shalt  }
0x56: {  	_ =	shalt  }
0x57: {  	_ =	shalt  }
0x58: {  	_ =	shalt  }
0x59: {  	_ =	shalt  }
0x5a: {  	_ =	shalt  }
0x5b: {  	_ =	shalt  }
0x5c: {  	_ =	shalt  }
0x5d: {  	_ =	shalt  }
0x5e: {  	_ =	shalt  }
0x5f: {  	_ =	shalt  }
0x60: {  	_ =	shalt  }
0x61: {  	_ =	shalt  }
0x62: {  	_ =	shalt  }
0x63: {  	_ =	shalt  }
0x64: {  	_ =	shalt  }
0x65: {  	_ =	shalt  }
0x66: {  	_ =	shalt  }
0x67: {  	_ =	shalt  }
0x68: {  	_ =	shalt  }
0x69: {  	_ =	shalt  }
0x6a: {  	_ =	shalt  }
0x6b: {  	_ =	shalt  }
0x6c: {  	_ =	shalt  }
0x6d: {  	_ =	shalt  }
0x6e: {  	_ =	shalt  }
0x6f: {  	_ =	shalt  }
0x70: {  	_ =	shalt  }
0x71: {  	_ =	shalt  }
0x72: {  	_ =	shalt  }
0x73: {  	_ =	shalt  }
0x74: {  	_ =	shalt  }
0x75: {  	_ =	shalt  }
0x76: {  	_ =	shalt  }
0x77: {  	_ =	shalt  }
0x78: {  	_ =	shalt  }
0x79: {  	_ =	shalt  }
0x7a: {  	_ =	shalt  }
0x7b: {  	_ =	shalt  }
0x7c: {  	_ =	shalt  }
0x7d: {  	_ =	shalt  }
0x7e: {  	_ =	shalt  }
0x7f: {  	_ =	shalt  }
0x80: {  	_ =	shalt  }
0x81: {  	_ =	shalt  }
0x82: {  	_ =	shalt  }
0x83: {  	_ =	shalt  }
0x84: {  	_ =	shalt  }
0x85: {  	_ =	shalt  }
0x86: {  	_ =	shalt  }
0x87: {  	_ =	shalt  }
.Lfunc_end0:
.L_simem_size_0:
called_computation_lowered:
.L_overlay_start_0:
0x88: {  	s2 =	sld [smem:$0x3FD9]  }
0x89: {  	s3 =	sld [smem:$0x3FFE];
	_ =	sdelay $0x1  }
0x8a: {  	s1 =	srdreg.scid  }
0x8b: {  	s0 =	sand.u32 $0x1, s1  }
0x8c: {  	s17 =	sshll.u32 s0, $0xA;
	s2 =	sadd.s32 s3, s2  }
0x8d: {  	s2 =	sadd.s32 s2, s17  }
0x8e: {  	[smem:$0x3FB9] =	sst s2  }
0x8f: {  	_ = 	snop  }
0x90: {  	s2 =	sld [smem:$0x3FD0];
	(tm) =	ssettm $0x1  }
0x91: {  	s18 =	sld [smem:$0x3FFB];
	_ =	sdelay $0x3  }
0x92: {  	_ =	strace s18  }
0x93: {  	s3 =	sld [smem:$0x3FFC];
	_ =	sdelay $0x3  }
0x94: {  	_ =	strace s3  }
0x95: {  	s3 =	sld [smem:$0x3FFD];
	_ =	sdelay $0x3  }
0x96: {  	_ =	strace s3  }
0x97: {  	_ =	strace $0x8FFFFFFF  }
0x98: {  	s19 =	sld [smem:$0x3FDB];
	_ =	sdelay $0x1  }
0x99: {  	s4 =	simm.s32 $_scs_section_size  }
0x9a: {  	s5 =	simm.s32 $_size__tile_overlayer_lowered;
	s6 =	simm.s32 $_tile_overlayer_lowered  }
0x9b: {  	s22 =	simm.s32 $0x1BFF;
	s21 =	sshll.u32 s6, $0x1;
	s3 =	sadd.s32 s4, s19  }
0x9c: {  	s7 =	simm.s32 $0x0;
	s20 =	sshll.u32 s5, $0x1;
	s5 =	sadd.s32 s21, s3  }
0x9d: {  	[timem:s7], [sflag:s22] =	dma.local [hbm:s5], s20  }
0x9e: {  	_ =	swait.ge [sflag:s22], s20  }
0x9f: {  	s4 =	ssub.s32 $0x0, s20;
	[sflag:s22] =	ssyncset.done $0x0  }
0xa0: {  	[sflag:s22] =	ssyncadd.s32 s4;
	_ =	sdelay $0x1  }
0xa1: {  	s23 =	simm.s32 $0x1B8B  }
0xa2: {  	_ =	swait.ge [sflag:s23], $0x1  }
0xa3: {  	[sflag:s23] =	ssyncset.done $0x0  }
0xa4: {  	s25 =	simm.s32 $0x1B8E;
	s24 =	sld [smem:$0x3FFE];
	[sflag:s23] =	ssyncadd.s32 $0xFFFFFFFF  }
0xa5: {  	s26 =	simm.s32 $execute0_lowered;
	[smem:$0x3FD2] =	sst s25  }
0xa6: {  	s5 =	sshll.u32 s26, $0x1;
	_ =	strace $0x80000046;
	[dreg:$0x1] =	wrdreg $0xFFFFFFFF  }
0xa7: {  	s28 =	simm.s32 $_size_execute0_lowered;
	s3 =	sadd.s32 s3, s5;
	[dreg:$0x0] =	wrdreg $0x0  }
0xa8: {  	s5 =	sshll.u32 s28, $0x1;
	[dreg:$0x2] =	wrdreg s3  }
0xa9: {  	[dreg:$0x3] =	wrdreg s5  }
0xaa: {  	[dreg:$0x4] =	wrdreg $0xC0  }
0xab: {  	_ =	task [dreg:s7], $0x5FFFF  }
0xac: {  	[dreg:$0x1] =	wrdreg $0xFFFFFFFF  }
0xad: {  	[dreg:$0x0] =	wrdreg $0x60  }
0xae: {  	[dreg:$0x2] =	wrdreg s24  }
0xaf: {  	[dreg:$0x3] =	wrdreg s2  }
0xb0: {  	[dreg:$0x4] =	wrdreg $0x0  }
0xb1: {  	[dreg:$0x5] =	wrdreg $0x138800  }
0xb2: {  	[dreg:$0x6] =	wrdreg $0x9  }
0xb3: {  	_ =	task.clear_ibuf [dreg:s7], $0x7FFFF;
	_ =	strace $0x90000046  }
0xb4: {  	s29 =	simm.s32 $0x9;
	_ =	strace $0x80000048  }
0xb5: {  	_ =	swait.ge [sflag:s29], $0x1  }
0xb6: {  	[sflag:s29] =	ssyncadd.s32 $0xFFFFFFFF  }
0xb7: {  	_ =	strace $0x90000048  }
0xb8: {  	_ =	sfence  }
0xb9: {  	s30 =	sld [smem:$0x0];
	_ =	sdelay $0x2  }
0xba: {  	s31 =	sshll.u32 s1, $0xD;
	s1 =	sshrl.u32 s1, $0x2  }
0xbb: {  	s3 =	sand.u32 $0x4000, s31;
	s1 =	sadd.s32 s1, s30  }
0xbc: {  	s0 =	sor.u32 s3, s0;
	s1 =	sshll.u32 s1, $0x11  }
0xbd: {  	s0 =	sor.u32 s1, s0  }
0xbe: {  	s0 =	sadd.s32 $0x8F2B, s0  }
0xbf: {  	[sflag:s0] =	ssyncadd.remote.s32 $0x1  }
0xc0: {  	_ =	sfence.sel $0xFFFF  }
0xc1: {  	[dreg:$0x0] =	wrdreg $0xFFFFFFFF;
	(pc) =	sbr.abs _section_cstart, $3  }
0xc2: {  	[dreg:$0x1] =	wrdreg $0xFFFFFFFF  }
0xc3: {  	_ =	task.clear_ibuf [dreg:s7], $0x2FFFF;
	_ =	strace $0x9FFFFFFF  }
0xc4: {  	(tm) =	ssettm $0x7FFFFFFF  }
0xc5: {  	_ =	shalt  }
tec
execute0_lowered:
.L_overlay_start_1:
0x0: {  	(tag) =	ssettag $0x1  }
0x1: {  	s0 =	rddreg [dreg:$0x0]  }
0x2: {  	s3 =	rddreg [dreg:$0x1]  }
0x3: {  	s1 =	rddreg [dreg:$0x2]  }
0x4: {  	s2 =	rddreg [dreg:$0x3];
	s4 =	simm.s32 $0x0;
	s5 =	srdreg.scid  }
0x5: {  	s9 =	stileid.u32;
	s28 =	simm.s32 $0x14668;
	s31 =	simm.s32 $0x1  }
0x6: {  	s17 =	simm.s32 $0x0;
	[smem:$0x7FF] =	sst s4;
	s4 =	sadd.s32 $0x64C00, s0  }
0x7: {  	s5 =	sand.u32 $0x1, s5;
	s6 =	sadd.s32 $0xB2E00, s0;
	s11 =	smul.u32 $0x50000, s9  }
0x8: {  	s19 =	sadd.s32 $0xC00, s0;
	s20 =	sadd.s32 $0xB3A00, s0;
	s13 =	smul.u32 $0x2800, s9  }
0x9: {  	s23 =	smul.u32 $0x14000, s9;
	p1 =	seq.s32 s9, $0xF;
	p0 =	sne.s32 s9, $0x0  }
0xa: {  	_ =	strace $0x80000047;
	[dreg:$0x5] =	wrdreg s6;
	s18 =	sshll.u32 s5, $0x1  }
0xb: {  	s7 =	sshll.u32 s5, $0x8;
	[dreg:$0x6] =	wrdreg s19;
	s10 =	ssub.s32 $0x2, s5  }
0xc: {  	[dreg:$0x7] =	wrdreg s20;
	s22 =	smul.u32 $0x138800, s5;
	s5 =	sshll.u32 s5, $0x4  }
0xd: {  	s19 =	simm.s32 $0x13D68;
	s20 =	simm.s32 $0x7;
	s6 =	sadd.s32 s18, s0  }
0xe: {  	s8 =	sadd.s32 s7, s0;
	s12 =	sshrl.u32 s10, $0x1;
	s0 =	sadd.s32 $0xE5A00, s0  }
0xf: {  	s11 =	sshrl.u32 s11, $0x2;
	s21 =	sadd.s32 s3, s13;
	s13 =	sadd.s32 $0x12C000, s1  }
0x10: {  	s3 =	sadd.s32 $0x25800, s3;
	s5 =	sor.u32 s9, s5;
	[dreg:$0x8] =	wrdreg s21  }
0x11: {  	s10 =	ssub.s32 s10, s12;
	s11 =	sadd.s32 s11, s1;
	[dreg:$0x9] =	wrdreg s3  }
0x12: {  	s6 =	sadd.s32 $0xA00, s6;
	s24 =	sadd.s32 $0xB3800, s8;
	s3 =	sadd.s32 s23, s22  }
0x13: {  	s25 =	sshrl.u32 s22, $0x3;
	s5 =	smul.u32 $0x19, s5;
	[dreg:$0xa] =	wrdreg s6  }
0x14: {  	s21 =	simm.s32 $0x13DE8;
	s22 =	simm.s32 $0x145E8;
	[dreg:$0xb] =	wrdreg s24  }
0x15: {  	s8 =	simm.s32 $0x2;
	s30 =	smax.u32 s10, $0x1;
	[dreg:$0xc] =	wrdreg s5  }
0x16: {  	s3 =	sshrl.u32 s3, $0x3;
	s6 =	sshrl.u32 @p1 s13, $0x3;
	[dreg:$0xf] =	wrdreg s30  }
0x17: {  	s26 =	sadd.s32 s0, s25;
	s10 =	sshrl.u32 @!p1 s11, $0x3;
	[dreg:$0x10] =	wrdreg s6  }
0x18: {  	v0 =	vlaneseq.u32;
	s24 =	simm.s32 $0x50;
	s0 =	sadd.s32 s0, s3;
	[dreg:$0x12] =	wrdreg s10  }
0x19: {  	v1 =	vor.u32 $0x10, v0;
	s29 =	sadd.s32 $0x25800, s26;
	[dreg:$0xd] =	wrdreg s0;
	s0 =	sshll.u32 @!p1 s9, $0x6  }
0x1a: {  	v2 =	vor.u32 $0x20, v0;
	v3 =	vor.u32 $0x30, v0;
	v4 =	vor.u32 $0x40, v0;
	s11 =	simm.s32 $0x0;
	[dreg:$0xe] =	wrdreg s29;
	s7 =	sor.u32 @!p1 $0x1C07, s0  }
0x1b: {  	v5 =	vor.u32 $0x50, v0;
	v6 =	vor.u32 $0x60, v0;
	v7 =	vor.u32 $0x70, v0;
	s9 =	simm.s32 $0x4;
	s0 =	simm.s32 $0x3;
	[dreg:$0x11] =	wrdreg s7  }
.LBB2_1:
0x1c: {  	[dreg:$0x13] =	wrdreg s11  }
0x1d: {  	s3 =	simm.s32 @p1 $0x1FC7;
	s5 =	rddreg [dreg:$0x9]  }
0x1e: {  	[spmem:s6], [sflag:s3] =	dma.local @p1 [hbm:s5], $0x1900  }
0x1f: {  	s3 =	simm.s32 @p1 $0x7  }
0x20: {  	_ =	swait.ge @p1 [sflag:s3], $0x1900  }
0x21: {  	[sflag:s3] =	ssyncset.done @p1 $0x0  }
0x22: {  	[sflag:s3] =	ssyncadd.s32 @p1 $0xFFFFE700;
	s3 =	rddreg [dreg:$0x8]  }
0x23: {  	[spmem:s10], [sflag:s7] =	dma.local @!p1 [hbm:s3], $0x2800  }
0x24: {  	s3 =	simm.s32 @!p1 $0x7  }
0x25: {  	_ =	swait.ge @!p1 [sflag:s3], $0x2800  }
0x26: {  	[sflag:s3] =	ssyncset.done @!p1 $0x0  }
0x27: {  	s26 =	simm.s32 $0x0;
	s29 =	rddreg [dreg:$0xa];
	[sflag:s3] =	ssyncadd.s32 @!p1 $0xFFFFD800  }
0x28: {  	[tilespmem:s19], [sflag:$0x7] =	stream.linear.gather [hbm4b:s29+s26], $0x10, $0x38;
	[tilespmem:$0x1FEE8] =	vst v63  }
0x29: {  	_ =	swait.ge [sflag:s20], $0x10  }
0x2a: {  	[sflag:s20] =	ssyncset.done $0x0  }
0x2b: {  	s30 =	rddreg [dreg:$0xb];
	[sflag:s20] =	ssyncadd.s32 $0xFFFFFFF0  }
0x2c: {  	[tilespmem:s21], [sflag:$0x7] =	stream.linear.gather [hbm4b:s30+s26], $0x800, $0x38;
	[tilespmem:$0x1FEE8] =	vst v63  }
0x2d: {  	_ =	swait.ge [sflag:s20], $0x800  }
0x2e: {  	s5 =	simm.s32 @!p0 $0x1C07;
	[sflag:s20] =	ssyncset.done $0x0  }
0x2f: {  	s3 =	sshrl.u32 @!p0 s2, $0x3;
	s6 =	rddreg [dreg:$0x5];
	[sflag:s20] =	ssyncadd.s32 $0xFFFFF800  }
0x30: {  	[spmem:s3], [sflag:s5] =	dma.local @!p0 [hbm:s6], $0x9D0  }
0x31: {  	s3 =	simm.s32 @!p0 $0x7  }
0x32: {  	_ =	swait.ge @!p0 [sflag:s3], $0x9D0  }
0x33: {  	[sflag:s3] =	ssyncset.done @!p0 $0x0  }
0x34: {  	[sflag:s3] =	ssyncadd.s32 @!p0 $0xFFFFF630  }
0x35: {  	s11 =	simm.s32 $0x0;
	[bflag:$0x0] =	sbarrier.arrive $0xFFFF  }
.LBB2_2:
0x36: {  	p2 =	seq.s32 s11, $0x0  }
0x37: {  	s3 =	simm.s32 @!p2 $0x5  }
0x38: {  	_ =	swait.ge @!p2 [sflag:s3], $0x2800  }
0x39: {  	[sflag:s3] =	ssyncset.done @!p2 $0x0  }
0x3a: {  	[sflag:s3] =	ssyncadd.s32 @!p2 $0xFFFFD800;
	s3 =	simm.s32 @!p2 $0x6  }
0x3b: {  	_ =	swait.ge @!p2 [sflag:s3], $0x2800  }
0x3c: {  	s5 =	rddreg [dreg:$0xc]  }
0x3d: {  	s5 =	sadd.s32 s5, s11  }
0x3e: {  	[sflag:s3] =	ssyncset.done @!p2 $0x0;
	s15 =	rddreg [dreg:$0x6];
	s6 =	sshll.u32 s5, $0x9  }
0x3f: {  	s13 =	simm.s32 $0x0;
	[sflag:s3] =	ssyncadd.s32 @!p2 $0xFFFFD800;
	s3 =	sadd.s32 s15, s6  }
0x40: {  	[tilespmem:s22], [sflag:$0x7] =	stream.linear.gather [hbm4b:s3+s13], $0x1000, $0x38;
	[tilespmem:$0x1FEE8] =	vst v63  }
0x41: {  	_ =	swait.ge [sflag:s20], $0x1000  }
0x42: {  	s16 =	sshll.u32 s5, $0x8;
	[sflag:s20] =	ssyncset.done $0x0;
	s18 =	rddreg [dreg:$0x7]  }
0x43: {  	s23 =	simm.s32 $0x155E8;
	[sflag:s20] =	ssyncadd.s32 $0xFFFFF000;
	s3 =	sadd.s32 s18, s16  }
0x44: {  	[tilespmem:s23], [sflag:$0x7] =	stream.linear.gather [hbm4b:s3+s13], $0x500, $0x38;
	[tilespmem:$0x1FEE8] =	vst v63  }
0x45: {  	_ =	swait.ge [sflag:s20], $0x500  }
0x46: {  	[sflag:s20] =	ssyncset.done $0x0  }
0x47: {  	s25 =	simm.s32 $0x15DE8;
	[sflag:s20] =	ssyncadd.s32 $0xFFFFFB00  }
0x48: {  	[tilespmem:s25], [sflag:$0x1] =	stream.indirect.gather [hbm4b:s4+s24], $0x80, s22, s24, $0xb8;
	[tilespmem:$0x1FEE8] =	vst v63  }
0x49: {  	s26 =	simm.s32 $0x1FDE8  }
0x4a: {  	[tilespmem:s26], [sflag:$0x3] =	stream.indirect.gather [spmem:s2], $0x1, s22, s24, $0xb8;
	[tilespmem:$0x1FEE8] =	vst v63  }
0x4b: {  	s29 =	simm.s32 $0x185E8  }
0x4c: {  	[tilespmem:s29], [sflag:$0x2] =	stream.indirect.gather [hbm4b:s4+s24], $0x80, s28, s24, $0xb8;
	[tilespmem:$0x1FEE8] =	vst v63  }
0x4d: {  	s30 =	simm.s32 $0x1FE68;
	p2 =	por $0x0, $0x0  }
0x4e: {  	[tilespmem:s30], [sflag:$0x4] =	stream.indirect.gather [spmem:s2], $0x1, s28, s24, $0xb8;
	[tilespmem:$0x1FEE8] =	vst v63  }
.LBB2_3:
0x4f: {  	s14 =	sand.u32 $0x1, s13  }
0x50: {  	p3 =	seq.s32 s14, $0x1  }
.Ltmp0:
0x51: {  	_ = 	snop;
	(pc) =	sbr.rel @p3 .LBB2_5-.Ltmp0, $1  }
0x52: {  	_ =	sdelay $0x3  }
0x53: {  	_ =	swait.ge [sflag:s31], $0x2800;
	p3 =	sgt.u32 s13, $0x1  }
.Ltmp1:
0x54: {  	[sflag:s31] =	ssyncset.done $0x0;
	(pc) =	sbr.rel @p3 .LBB2_6-.Ltmp1, $4  }
.Ltmp2:
0x55: {  	[sflag:s31] =	ssyncadd.s32 $0xFFFFD800;
	(pc) =	sbr.rel @!p3 .LBB2_7-.Ltmp2, $4  }
0x56: {  	_ =	swait.ge [sflag:s0], $0x50  }
0x57: {  	[sflag:s0] =	ssyncset.done $0x0  }
0x58: {  	s3 =	simm.s32 $0x5;
	[sflag:s0] =	ssyncadd.s32 $0xFFFFFFB0  }
0x59: {  	_ = 	snop  }
.LBB2_5:
0x5a: {  	_ =	swait.ge [sflag:s8], $0x2800;
	p3 =	slt.u32 s13, $0x2  }
.Ltmp3:
0x5b: {  	[sflag:s8] =	ssyncset.done $0x0;
	(pc) =	sbr.rel @p3 .LBB2_7-.Ltmp3, $4  }
0x5c: {  	[sflag:s8] =	ssyncadd.s32 $0xFFFFD800  }
0x5d: {  	_ =	swait.ge [sflag:s9], $0x50  }
0x5e: {  	[sflag:s9] =	ssyncset.done $0x0  }
0x5f: {  	s3 =	simm.s32 $0x6;
	[sflag:s9] =	ssyncadd.s32 $0xFFFFFFB0  }
.LBB2_6:
0x60: {  	_ =	swait.ge [sflag:s3], $0x2800  }
0x61: {  	[sflag:s3] =	ssyncset.done $0x0  }
0x62: {  	[sflag:s3] =	ssyncadd.s32 $0xFFFFD800  }
.LBB2_7:
0x63: {  	s3 =	simm.s32 $0x1  }
0x64: {  	s3 =	simm.s32 @!p2 $0x0  }
0x65: {  	s3 =	smul.u32 $0xA000, s3;
	_ =	sdelay $0x1  }
0x66: {  	s6 =	sshll.u32 s13, $0x8;
	s5 =	sshrl.u32 s3, $0x2;
	s3 =	sshll.u32 s13, $0x7  }
0x67: {  	s15 =	sshll.u32 s14, $0x7;
	s6 =	sand.u32 $0x800, s6;
	s10 =	sand.u32 $0x380, s3  }
0x68: {  	s18 =	simm.s32 $0x0;
	s30 =	sadd.s32 $0x1FDE8, s15;
	s25 =	sor.u32 s10, s6  }
0x69: {  	v8 =	vmov s30;
	s29 =	sadd.s32 $0x15EE8, s5;
	s26 =	sadd.s32 $0x1AEE8, s5;
	s16 =	sadd.s32 $0x145E8, s25  }
.LBB2_8:
0x6a: {  	s5 =	sshll.u32 s18, $0x4  }
0x6b: {  	s6 =	sadd.s32 $0x50, s5  }
0x6c: {  	s10 =	sshll.u32 s6, $0x3  }
0x6d: {  	s10 =	sand.u32 $0x400, s10  }
0x6e: {  	s6 =	sand.u32 $0x70, s6;
	s10 =	sadd.s32 s10, s16  }
0x6f: {  	s6 =	sadd.s32 s6, s10  }
0x70: {  	v16 =	vld [tilespmem:s6+$0x0];
	_ =	sdelay $0x6  }
0x71: {  	v9 =	vld.idx.msk [tilespmem:v8+s5+$0x0 ss:$0x1], $0xffff  }
0x72: {  	v10 =	vld.idx.msk [tilespmem:v16+s19+$0x0], $0xffff;
	_ =	sdelay $0x4  }
0x73: {  	v9 =	vadd.f32 v10, v9;
	_ =	sdelay $0x1  }
0x74: {  	v9 =	vsub.f32 $0.0e+00, v9;
	_ =	sdelay $0x1  }
0x75: {  	v9 =	vmul.f32 $1.442695020e+00, v9;
	_ =	sdelay $0x1  }
0x76: {  	(erf) = vpow2.f32 v9;
	_ =	sdelay $0x6  }
0x77: {  	s6 =	simm.s32 $0x3  }
0x78: {  	s7 =	simm.s32 $0x2;
	v9 =	vmov s6  }
0x79: {  	v11 =	vmov s7;
	v12 =	vperm.xlane v16, v9;
	v10 =	vpop (erf)  }
0x7a: {  	v13 =	vperm.xlane v16, v11;
	v10 =	vadd.f32 $1.000000000e+00, v10  }
0x7b: {  	v14 =	vshll.u32 v12, $0x7  }
0x7c: {  	s10 =	simm.s32 $0x1;
	v12 =	vshll.u32 v13, $0x7;
	(erf) = vrcp.f32 v10;
	v10 =	vor.u32 v0, v14  }
0x7d: {  	v17 =	vmov s10;
	v13 =	vor.u32 v0, v12  }
0x7e: {  	v15 =	vperm.xlane v16, v17  }
0x7f: {  	v18 =	vld [tilespmem:s29+$0x80]  }
0x80: {  	v19 =	vmov s17;
	v23 =	vld [tilespmem:s29+$0x0];
	v27 =	vshll.u32 v15, $0x7  }
0x81: {  	v22 =	vor.u32 v0, v27;
	v20 =	vld.idx.msk [tilespmem:v10+s21+$0x0], $0xffff;
	v10 =	vperm.xlane v16, v19  }
0x82: {  	v13 =	vld.idx.msk [tilespmem:v13+s21+$0x0], $0xffff  }
0x83: {  	v15 =	vshll.u32 v10, $0x7  }
0x84: {  	v24 =	vor.u32 v0, v15  }
0x85: {  	v21 =	vpop (erf)  }
0x86: {  	v22 =	vld.idx.msk [tilespmem:v22+s21+$0x0], $0xffff;
	v25 =	vor.u32 v1, v14;
	v10 =	vperm.xlane v21, v9;
	v18 =	vadd.f32 v18, v20  }
0x87: {  	v13 =	vadd.f32 v23, v13;
	v20 =	vld [tilespmem:s29+$0xFFFFFF80]  }
0x88: {  	v23 =	vld [tilespmem:s29+$0xFFFFFF00];
	v9 =	vperm.xlane v21, v11;
	v11 =	vor.u32 v1, v12;
	v18 =	vmul.f32 v18, v10  }
0x89: {  	v24 =	vld.idx.msk [tilespmem:v24+s21+$0x0], $0xffff  }
0x8a: {  	v13 =	vmul.f32 v13, v9;
	[tilespmem:s26+$0x80] =	vst v18  }
0x8b: {  	v18 =	vld.idx.msk [tilespmem:v25+s21+$0x0], $0xffff  }
0x8c: {  	[tilespmem:s26+$0x0] =	vst v13;
	v13 =	vperm.xlane v21, v17;
	v17 =	vor.u32 v1, v27;
	v25 =	vld [tilespmem:s29+$0x90];
	v20 =	vadd.f32 v20, v22  }
0x8d: {  	v26 =	vor.u32 v1, v15;
	v22 =	vld.idx.msk [tilespmem:v11+s21+$0x0], $0xffff  }
0x8e: {  	v11 =	vperm.xlane v21, v19;
	v19 =	vld [tilespmem:s29+$0x10];
	v20 =	vmul.f32 v20, v13;
	v23 =	vadd.f32 v23, v24;
	_ =	sdelay $0x1  }
0x8f: {  	[tilespmem:s26+$0xFFFFFF80] =	vst v20;
	v23 =	vmul.f32 v23, v11  }
0x90: {  	v24 =	vor.u32 v2, v14;
	v18 =	vadd.f32 v25, v18;
	v17 =	vld.idx.msk [tilespmem:v17+s21+$0x0], $0xffff  }
0x91: {  	[tilespmem:s26+$0xFFFFFF00] =	vst v23;
	v23 =	vld [tilespmem:s29+$0xFFFFFF90]  }
0x92: {  	v20 =	vor.u32 v2, v12;
	v19 =	vadd.f32 v19, v22;
	v18 =	vmul.f32 v18, v10;
	v22 =	vld.idx.msk [tilespmem:v26+s21+$0x0], $0xffff  }
0x93: {  	v25 =	vld [tilespmem:s29+$0xFFFFFF10]  }
0x94: {  	v19 =	vmul.f32 v19, v9;
	[tilespmem:s26+$0x90] =	vst v18  }
0x95: {  	v18 =	vld.idx.msk [tilespmem:v24+s21+$0x0], $0xffff  }
0x96: {  	[tilespmem:s26+$0x10] =	vst v19;
	v19 =	vld [tilespmem:s29+$0xA0];
	v17 =	vadd.f32 v23, v17;
	v23 =	vor.u32 v2, v27  }
0x97: {  	v20 =	vld.idx.msk [tilespmem:v20+s21+$0x0], $0xffff  }
0x98: {  	v24 =	vld [tilespmem:s29+$0x20];
	v22 =	vadd.f32 v25, v22;
	v25 =	vor.u32 v2, v15;
	v17 =	vmul.f32 v17, v13;
	_ =	sdelay $0x1  }
0x99: {  	[tilespmem:s26+$0xFFFFFF90] =	vst v17;
	v17 =	vmul.f32 v22, v11  }
0x9a: {  	v18 =	vadd.f32 v19, v18;
	v19 =	vor.u32 v3, v14;
	v22 =	vld.idx.msk [tilespmem:v23+s21+$0x0], $0xffff  }
0x9b: {  	[tilespmem:s26+$0xFFFFFF10] =	vst v17;
	v17 =	vld [tilespmem:s29+$0xFFFFFFA0]  }
0x9c: {  	v20 =	vadd.f32 v24, v20;
	v18 =	vmul.f32 v18, v10;
	v23 =	vor.u32 v3, v12;
	v24 =	vld.idx.msk [tilespmem:v25+s21+$0x0], $0xffff  }
0x9d: {  	v25 =	vld [tilespmem:s29+$0xFFFFFF20]  }
0x9e: {  	[tilespmem:s26+$0xA0] =	vst v18;
	v18 =	vmul.f32 v20, v9  }
0x9f: {  	v19 =	vld.idx.msk [tilespmem:v19+s21+$0x0], $0xffff  }
0xa0: {  	v20 =	vld [tilespmem:s29+$0xB0];
	[tilespmem:s26+$0x20] =	vst v18;
	v18 =	vor.u32 v3, v27;
	v17 =	vadd.f32 v17, v22  }
0xa1: {  	v22 =	vld.idx.msk [tilespmem:v23+s21+$0x0], $0xffff  }
0xa2: {  	v23 =	vld [tilespmem:s29+$0x30];
	v24 =	vadd.f32 v25, v24;
	v25 =	vor.u32 v3, v15;
	v17 =	vmul.f32 v17, v13  }
0xa3: {  	s10 =	sadd.s32 $0x200, s29  }
0xa4: {  	s15 =	simm.s32 $0x6;
	v33 =	vld [tilespmem:s10+$0x80];
	v24 =	vmul.f32 v24, v11;
	[tilespmem:s26+$0xFFFFFFA0] =	vst v17  }
0xa5: {  	v26 =	vmov s15;
	v18 =	vld.idx.msk [tilespmem:v18+s21+$0x0], $0xffff  }
0xa6: {  	s12 =	simm.s32 $0x7;
	v29 =	vperm.xlane v16, v26;
	v17 =	vadd.f32 v20, v19;
	[tilespmem:s26+$0xFFFFFF20] =	vst v24;
	v19 =	vld [tilespmem:s29+$0xFFFFFFB0]  }
0xa7: {  	v20 =	vadd.f32 v23, v22;
	v22 =	vor.u32 v4, v14;
	v24 =	vmov s12;
	v25 =	vld.idx.msk [tilespmem:v25+s21+$0x0], $0xffff  }
0xa8: {  	v28 =	vperm.xlane v16, v24;
	v30 =	vld [tilespmem:s29+$0xFFFFFF30];
	v31 =	vmul.f32 v17, v10  }
0xa9: {  	v39 =	vld [tilespmem:s10+$0x0];
	v23 =	vor.u32 v4, v12;
	v17 =	vshll.u32 v29, $0x7  }
0xaa: {  	v47 =	vld [tilespmem:s10+$0xFFFFFF00];
	v32 =	vmul.f32 v20, v9;
	v20 =	vshll.u32 v28, $0x7;
	[tilespmem:s26+$0xB0] =	vst v31;
	v31 =	vor.u32 v0, v17  }
0xab: {  	s23 =	simm.s32 $0x5;
	v28 =	vld [tilespmem:s10+$0xFFFFFF80];
	v29 =	vor.u32 v0, v20  }
0xac: {  	v34 =	vmov s23;
	v36 =	vor.u32 v4, v27;
	v46 =	vld.idx.msk [tilespmem:v22+s21+$0x0], $0xffff  }
0xad: {  	s25 =	simm.s32 $0x4;
	[tilespmem:s26+$0x30] =	vst v32;
	v22 =	vperm.xlane v16, v34;
	v18 =	vadd.f32 v19, v18;
	v19 =	vadd.f32 v30, v25;
	v25 =	vld [tilespmem:s29+$0xC0]  }
0xae: {  	v35 =	vld.idx.msk [tilespmem:v23+s21+$0x0], $0xffff;
	v30 =	vmov s25  }
0xaf: {  	v23 =	vshll.u32 v22, $0x7;
	v18 =	vmul.f32 v18, v13;
	v22 =	vperm.xlane v16, v30;
	v31 =	vld.idx.msk [tilespmem:v31+s21+$0x0], $0xffff  }
0xb0: {  	v38 =	vor.u32 v0, v23;
	v29 =	vld.idx.msk [tilespmem:v29+s21+$0x0], $0xffff  }
0xb1: {  	v42 =	vor.u32 v4, v15;
	v37 =	vld [tilespmem:s29+$0x40];
	v19 =	vmul.f32 v19, v11;
	[tilespmem:s26+$0xFFFFFFB0] =	vst v18;
	v22 =	vshll.u32 v22, $0x7  }
0xb2: {  	v36 =	vld.idx.msk [tilespmem:v36+s21+$0x0], $0xffff;
	v40 =	vor.u32 v0, v22;
	v25 =	vadd.f32 v25, v46  }
0xb3: {  	v18 =	vperm.xlane v21, v26;
	[tilespmem:s26+$0xFFFFFF30] =	vst v19;
	v49 =	vld [tilespmem:s29+$0xFFFFFFC0]  }
0xb4: {  	v26 =	vor.u32 v5, v14;
	v41 =	vld [tilespmem:s29+$0xFFFFFF40];
	v25 =	vmul.f32 v25, v10;
	v31 =	vadd.f32 v39, v31  }
0xb5: {  	v48 =	vor.u32 v1, v17;
	v19 =	vperm.xlane v21, v24;
	v24 =	vld.idx.msk [tilespmem:v38+s21+$0x0], $0xffff;
	v29 =	vadd.f32 v33, v29  }
0xb6: {  	v51 =	vld.idx.msk [tilespmem:v42+s21+$0x0], $0xffff;
	[tilespmem:s26+$0xC0] =	vst v25;
	v25 =	vmul.f32 v31, v18  }
0xb7: {  	s23 =	sadd.s32 $0x200, s26;
	v43 =	vor.u32 v1, v20;
	v50 =	vld.idx.msk [tilespmem:v40+s21+$0x0], $0xffff;
	v29 =	vmul.f32 v29, v19  }
0xb8: {  	v53 =	vor.u32 v5, v27;
	v56 =	vld [tilespmem:s29+$0xD0];
	[tilespmem:s23+$0x0] =	vst v25  }
0xb9: {  	v35 =	vadd.f32 v37, v35;
	v52 =	vadd.f32 v49, v36;
	[tilespmem:s23+$0x80] =	vst v29;
	v29 =	vld.idx.msk [tilespmem:v26+s21+$0x0], $0xffff  }
0xba: {  	v54 =	vor.u32 v1, v23;
	v25 =	vperm.xlane v21, v34;
	v33 =	vld.idx.msk [tilespmem:v48+s21+$0x0], $0xffff;
	v24 =	vadd.f32 v28, v24  }
0xbb: {  	v26 =	vmul.f32 v35, v9;
	v35 =	vmul.f32 v52, v13;
	v57 =	vld [tilespmem:s10+$0x10]  }
0xbc: {  	v31 =	vld.idx.msk [tilespmem:v43+s21+$0x0], $0xffff;
	v55 =	vmul.f32 v24, v25  }
0xbd: {  	v28 =	vld [tilespmem:s10+$0x90];
	v24 =	vperm.xlane v21, v30;
	v30 =	vor.u32 v1, v22;
	v32 =	vadd.f32 v47, v50;
	[tilespmem:s26+$0xFFFFFFC0] =	vst v35  }
0xbe: {  	v36 =	vld.idx.msk [tilespmem:v53+s21+$0x0], $0xffff;
	[tilespmem:s23+$0xFFFFFF80] =	vst v55  }
0xbf: {  	v32 =	vmul.f32 v32, v24;
	v34 =	vld.idx.msk [tilespmem:v54+s21+$0x0], $0xffff  }
0xc0: {  	v58 =	vor.u32 v5, v15;
	v37 =	vadd.f32 v41, v51;
	v59 =	vld [tilespmem:s10+$0xFFFFFF90]  }
0xc1: {  	v60 =	vld [tilespmem:s29+$0xFFFFFFD0];
	v29 =	vadd.f32 v56, v29;
	[tilespmem:s23+$0xFFFFFF00] =	vst v32  }
0xc2: {  	v61 =	vor.u32 v2, v20;
	v37 =	vmul.f32 v37, v11;
	v28 =	vadd.f32 v28, v31;
	v30 =	vld.idx.msk [tilespmem:v30+s21+$0x0], $0xffff  }
0xc3: {  	[tilespmem:s26+$0x40] =	vst v26;
	v31 =	vld [tilespmem:s10+$0xFFFFFF10];
	v29 =	vmul.f32 v29, v10  }
0xc4: {  	v62 =	vor.u32 v2, v17;
	[tilespmem:s26+$0xFFFFFF40] =	vst v37;
	v26 =	vld [tilespmem:s29+$0x50];
	v33 =	vadd.f32 v57, v33;
	v28 =	vmul.f32 v28, v19  }
0xc5: {  	v63 =	vld.idx.msk [tilespmem:v58+s21+$0x0], $0xffff;
	[tilespmem:s26+$0xD0] =	vst v29;
	v34 =	vadd.f32 v59, v34  }
0xc6: {  	v42 =	vor.u32 v2, v23;
	v43 =	vld [tilespmem:s29+$0xFFFFFF50];
	v32 =	vadd.f32 v60, v36;
	v29 =	vmul.f32 v33, v18;
	[tilespmem:s23+$0x90] =	vst v28  }
0xc7: {  	v46 =	vor.u32 v6, v27;
	v45 =	vld.idx.msk [tilespmem:v61+s21+$0x0], $0xffff;
	v44 =	vmul.f32 v34, v25  }
0xc8: {  	[tilespmem:s23+$0x10] =	vst v29;
	v29 =	vld [tilespmem:s10+$0xA0];
	v30 =	vadd.f32 v31, v30;
	v31 =	vmul.f32 v32, v13  }
0xc9: {  	v48 =	vld.idx.msk [tilespmem:v62+s21+$0x0], $0xffff;
	[tilespmem:s23+$0xFFFFFF90] =	vst v44  }
0xca: {  	v47 =	vor.u32 v2, v22;
	[tilespmem:s26+$0xFFFFFFD0] =	vst v31;
	v31 =	vld [tilespmem:s10+$0x20]  }
0xcb: {  	v49 =	vld.idx.msk [tilespmem:v42+s21+$0x0], $0xffff  }
0xcc: {  	v30 =	vmul.f32 v30, v24;
	v36 =	vld.idx.msk [tilespmem:v46+s21+$0x0], $0xffff  }
0xcd: {  	v60 =	vor.u32 v5, v12;
	v52 =	vld [tilespmem:s29+$0xFFFFFFE0]  }
0xce: {  	v50 =	vor.u32 v6, v15;
	v35 =	vadd.f32 v43, v63;
	v53 =	vld [tilespmem:s10+$0xFFFFFFA0];
	[tilespmem:s23+$0xFFFFFF10] =	vst v30  }
0xcf: {  	v51 =	vor.u32 v3, v20;
	v29 =	vadd.f32 v29, v45;
	v32 =	vld.idx.msk [tilespmem:v47+s21+$0x0], $0xffff  }
0xd0: {  	v30 =	vmul.f32 v35, v11;
	v55 =	vld [tilespmem:s10+$0xFFFFFF20]  }
0xd1: {  	v54 =	vor.u32 v6, v14;
	v28 =	vld [tilespmem:s29+$0xE0];
	v29 =	vmul.f32 v29, v19  }
0xd2: {  	v56 =	vor.u32 v3, v17;
	v33 =	vld.idx.msk [tilespmem:v60+s21+$0x0], $0xffff;
	[tilespmem:s26+$0xFFFFFF50] =	vst v30;
	v31 =	vadd.f32 v31, v48  }
0xd3: {  	v30 =	vld.idx.msk [tilespmem:v50+s21+$0x0], $0xffff;
	[tilespmem:s23+$0xA0] =	vst v29  }
0xd4: {  	v61 =	vadd.f32 v53, v49;
	v29 =	vmul.f32 v31, v18;
	v57 =	vld.idx.msk [tilespmem:v51+s21+$0x0], $0xffff;
	v31 =	vadd.f32 v52, v36  }
0xd5: {  	v58 =	vor.u32 v7, v27;
	v59 =	vld [tilespmem:s10+$0xB0];
	v32 =	vadd.f32 v55, v32  }
0xd6: {  	v62 =	vmul.f32 v61, v25;
	[tilespmem:s23+$0x20] =	vst v29;
	v29 =	vmul.f32 v31, v13;
	v31 =	vld.idx.msk [tilespmem:v54+s21+$0x0], $0xffff  }
0xd7: {  	v37 =	vor.u32 v3, v23;
	v27 =	vld.idx.msk [tilespmem:v56+s21+$0x0], $0xffff  }
0xd8: {  	v34 =	vld [tilespmem:s10+$0x30];
	v63 =	vmul.f32 v32, v24;
	[tilespmem:s23+$0xFFFFFFA0] =	vst v62  }
0xd9: {  	s30 =	simm.s32 $0x8;
	s5 =	smov.u32 s26;
	v32 =	vld [tilespmem:s29+$0xFFFFFF60];
	[tilespmem:s26+$0xFFFFFFE0] =	vst v29  }
0xda: {  	s6 =	sadd.s32 $0x200, s10;
	s15 =	smov.u32 s29;
	s25 =	smov.u32 s23;
	v36 =	vor.u32 v3, v22;
	v29 =	vld.idx.msk [tilespmem:v58+s21+$0x0], $0xffff;
	v35 =	vadd.f32 v59, v57;
	[tilespmem:s23+$0xFFFFFF20] =	vst v63  }
.LBB2_9:
0xdb: {  	s7 =	sadd.s32 $0x1, s30  }
0xdc: {  	p3 =	slt.u32 s30, $0xC;
	v37 =	vld.idx.msk [tilespmem:v37+s21+$0x0], $0xffff;
	v38 =	vor.u32 v4, v23;
	v39 =	vor.u32 v6, v12;
	s12 =	smov.u32 s30;
	s30 =	sadd.s32 $0x4, s30  }
0xdd: {  	v40 =	vmov s7;
	s7 =	sadd.s32 $0x2, s12;
	v41 =	vld [tilespmem:s10+$0xFFFFFFB0];
	v27 =	vadd.f32 v34, v27;
	v34 =	vor.u32 v4, v17  }
0xde: {  	v44 =	vor.u32 v4, v20;
	v42 =	vperm.xlane v16, v40;
	v43 =	vmov s7;
	s7 =	sadd.s32 $0x3, s12;
	v45 =	vld [tilespmem:s15+$0xFFFFFFF0]  }
0xdf: {  	v46 =	vperm.xlane v16, v43;
	v47 =	vmov s7;
	v36 =	vld.idx.msk [tilespmem:v36+s21+$0x0], $0xffff;
	v48 =	vmul.f32 v27, v18  }
0xe0: {  	v35 =	vmul.f32 v35, v19;
	v27 =	vshll.u32 v42, $0x7;
	v42 =	vperm.xlane v16, v47;
	v49 =	vld [tilespmem:s10+$0xFFFFFF30]  }
0xe1: {  	v26 =	vadd.f32 v26, v33;
	v50 =	vor.u32 v0, v27;
	v46 =	vshll.u32 v46, $0x7;
	v51 =	vld [tilespmem:s6+$0x80];
	[tilespmem:s23+$0x30] =	vst v48  }
0xe2: {  	v33 =	vld [tilespmem:s6+$0xFFFFFF80];
	v48 =	vor.u32 v0, v46;
	v42 =	vshll.u32 v42, $0x7;
	v37 =	vadd.f32 v41, v37;
	[tilespmem:s23+$0xB0] =	vst v35  }
0xe3: {  	v30 =	vadd.f32 v32, v30;
	v26 =	vmul.f32 v26, v9;
	v35 =	vor.u32 v0, v42;
	v41 =	vld.idx.msk [tilespmem:v44+s21+$0x0], $0xffff  }
0xe4: {  	v28 =	vadd.f32 v28, v31;
	v29 =	vadd.f32 v45, v29;
	v32 =	vmul.f32 v37, v25;
	v34 =	vld.idx.msk [tilespmem:v34+s21+$0x0], $0xffff  }
0xe5: {  	v30 =	vmul.f32 v30, v11;
	v31 =	vadd.f32 v49, v36;
	v36 =	vld [tilespmem:s10+$0x40];
	[tilespmem:s5+$0x50] =	vst v26;
	v26 =	vor.u32 v7, v14  }
0xe6: {  	v37 =	vmov s12;
	v29 =	vmul.f32 v29, v13;
	v14 =	vmovc v20;
	[tilespmem:s23+$0xFFFFFFB0] =	vst v32;
	v32 =	vld.idx.msk [tilespmem:v39+s21+$0x0], $0xffff;
	v39 =	vmul.f32 v28, v10  }
0xe7: {  	v20 =	vmov v42;
	v28 =	vperm.xlane v16, v37;
	v31 =	vmul.f32 v31, v24;
	v38 =	vld.idx.msk [tilespmem:v38+s21+$0x0], $0xffff;
	[tilespmem:s5+$0xFFFFFF60] =	vst v30  }
0xe8: {  	v13 =	vmov v25;
	v30 =	vld [tilespmem:s10+$0xC0];
	[tilespmem:s5+$0xE0] =	vst v39  }
0xe9: {  	v28 =	vshll.u32 v28, $0x7;
	[tilespmem:s23+$0xFFFFFF30] =	vst v31;
	v31 =	vld [tilespmem:s15+$0xF0]  }
0xea: {  	v39 =	vor.u32 v0, v28;
	v35 =	vld.idx.msk [tilespmem:v35+s21+$0x0], $0xffff;
	v34 =	vadd.f32 v36, v34;
	[tilespmem:s5+$0xFFFFFFF0] =	vst v29  }
0xeb: {  	v25 =	vperm.xlane v21, v40;
	v29 =	vld [tilespmem:s15+$0x60]  }
0xec: {  	v40 =	vor.u32 v7, v15;
	v36 =	vor.u32 v1, v27;
	v34 =	vmul.f32 v34, v18;
	v26 =	vld.idx.msk [tilespmem:v26+s21+$0x0], $0xffff  }
0xed: {  	v42 =	vperm.xlane v21, v43;
	v15 =	vmovc v22;
	v22 =	vmov v28;
	v43 =	vld [tilespmem:s10+$0xFFFFFF40];
	v30 =	vadd.f32 v30, v41  }
0xee: {  	v41 =	vor.u32 v1, v20;
	v28 =	vld.idx.msk [tilespmem:v48+s21+$0x0], $0xffff;
	[tilespmem:s23+$0x40] =	vst v34  }
0xef: {  	v44 =	vperm.xlane v21, v47;
	s23 =	sadd.s32 $0x200, s23;
	v34 =	vld [tilespmem:s6+$0x0];
	v30 =	vmul.f32 v30, v19  }
0xf0: {  	v45 =	vld [tilespmem:s6+$0xFFFFFF00];
	v29 =	vadd.f32 v29, v32  }
0xf1: {  	v47 =	vor.u32 v4, v15;
	v32 =	vor.u32 v1, v46;
	[tilespmem:s25+$0xC0] =	vst v30;
	v30 =	vld.idx.msk [tilespmem:v40+s21+$0x0], $0xffff  }
0xf2: {  	v48 =	vor.u32 v7, v12;
	v12 =	vmovc v17;
	v26 =	vadd.f32 v31, v26;
	v40 =	vld [tilespmem:s15+$0xFFFFFF70];
	v29 =	vmul.f32 v29, v9  }
0xf3: {  	v17 =	vmov v46;
	v31 =	vld.idx.msk [tilespmem:v50+s21+$0x0], $0xffff  }
0xf4: {  	v37 =	vperm.xlane v21, v37;
	v49 =	vor.u32 v5, v14;
	v46 =	vld [tilespmem:s10+$0xFFFFFFC0];
	[tilespmem:s5+$0x60] =	vst v29  }
0xf5: {  	v35 =	vadd.f32 v51, v35;
	v26 =	vmul.f32 v26, v10;
	v10 =	vmovc v19;
	v19 =	vmov v44;
	v29 =	vld.idx.msk [tilespmem:v39+s21+$0x0], $0xffff  }
0xf6: {  	v28 =	vadd.f32 v34, v28;
	v34 =	vld.idx.msk [tilespmem:v47+s21+$0x0], $0xffff  }
0xf7: {  	v35 =	vmul.f32 v35, v19;
	v30 =	vadd.f32 v40, v30;
	v39 =	vld.idx.msk [tilespmem:v48+s21+$0x0], $0xffff;
	[tilespmem:s5+$0xF0] =	vst v26  }
0xf8: {  	v26 =	vmul.f32 v28, v42;
	v28 =	vld [tilespmem:s15+$0x70];
	s15 =	smov.u32 s10;
	s10 =	smov.u32 s6  }
0xf9: {  	[tilespmem:s23+$0x80] =	vst v35;
	v35 =	vadd.f32 v46, v38;
	v38 =	vld.idx.msk [tilespmem:v49+s21+$0x0], $0xffff;
	v30 =	vmul.f32 v30, v11;
	v11 =	vmov v24  }
0xfa: {  	v44 =	vor.u32 v5, v23;
	v40 =	vor.u32 v1, v22;
	v24 =	vmov v37;
	[tilespmem:s23+$0x0] =	vst v26;
	v41 =	vld.idx.msk [tilespmem:v41+s21+$0x0], $0xffff  }
0xfb: {  	v26 =	vadd.f32 v45, v29;
	v29 =	vadd.f32 v33, v31;
	v31 =	vld.idx.msk [tilespmem:v32+s21+$0x0], $0xffff;
	v32 =	vor.u32 v2, v20  }
0xfc: {  	v33 =	vor.u32 v2, v17;
	v34 =	vadd.f32 v43, v34;
	v35 =	vmul.f32 v35, v13;
	v37 =	vld [tilespmem:s6+$0x90];
	[tilespmem:s5+$0xFFFFFF70] =	vst v30  }
0xfd: {  	v30 =	vmul.f32 v26, v24;
	v29 =	vmul.f32 v29, v25;
	v26 =	vld [tilespmem:s15+$0x50];
	v28 =	vadd.f32 v28, v39  }
0xfe: {  	v34 =	vmul.f32 v34, v11;
	[tilespmem:s25+$0xFFFFFFC0] =	vst v35;
	v35 =	vld [tilespmem:s15+$0xD0]  }
0xff: {  	[tilespmem:s23+$0xFFFFFF80] =	vst v29;
	v29 =	vld [tilespmem:s6+$0x10];
	v28 =	vmul.f32 v28, v9;
	v9 =	vmov v18;
	v18 =	vmov v42  }
0x100: {  	[tilespmem:s23+$0xFFFFFF00] =	vst v30;
	v30 =	vld.idx.msk [tilespmem:v44+s21+$0x0], $0xffff  }
0x101: {  	v39 =	vor.u32 v5, v15;
	v36 =	vld.idx.msk [tilespmem:v36+s21+$0x0], $0xffff;
	v37 =	vadd.f32 v37, v41;
	[tilespmem:s5+$0x70] =	vst v28;
	s5 =	smov.u32 s25;
	s25 =	smov.u32 s23  }
0x102: {  	v28 =	vld [tilespmem:s6+$0xFFFFFF90];
	[tilespmem:s5+$0xFFFFFF40] =	vst v34  }
0x103: {  	v34 =	vmul.f32 v37, v19;
	v37 =	vld [tilespmem:s15+$0xFFFFFFD0];
	v35 =	vadd.f32 v35, v38  }
0x104: {  	v38 =	vld.idx.msk [tilespmem:v40+s21+$0x0], $0xffff;
	v29 =	vadd.f32 v29, v31  }
0x105: {  	v31 =	vld [tilespmem:s6+$0xFFFFFF10];
	v35 =	vmul.f32 v35, v10  }
0x106: {  	v29 =	vmul.f32 v29, v18;
	v39 =	vld.idx.msk [tilespmem:v39+s21+$0x0], $0xffff  }
0x107: {  	v40 =	vor.u32 v2, v27;
	v36 =	vadd.f32 v28, v36;
	v41 =	vld [tilespmem:s15+$0xFFFFFF50];
	[tilespmem:s5+$0xD0] =	vst v35  }
0x108: {  	[tilespmem:s23+$0x90] =	vst v34;
	v30 =	vadd.f32 v37, v30;
	v28 =	vld [tilespmem:s15+$0xE0]  }
0x109: {  	v35 =	vor.u32 v6, v23;
	v34 =	vmul.f32 v36, v25;
	v32 =	vld.idx.msk [tilespmem:v32+s21+$0x0], $0xffff  }
0x10a: {  	v31 =	vadd.f32 v31, v38;
	[tilespmem:s23+$0x10] =	vst v29;
	v29 =	vld [tilespmem:s6+$0xA0];
	v30 =	vmul.f32 v30, v13  }
0x10b: {  	v36 =	vor.u32 v2, v22;
	[tilespmem:s23+$0xFFFFFF90] =	vst v34;
	v33 =	vld.idx.msk [tilespmem:v33+s21+$0x0], $0xffff  }
0x10c: {  	v31 =	vmul.f32 v31, v24;
	v34 =	vld.idx.msk [tilespmem:v40+s21+$0x0], $0xffff;
	v37 =	vadd.f32 v41, v39;
	[tilespmem:s5+$0xFFFFFFD0] =	vst v30  }
0x10d: {  	v30 =	vld [tilespmem:s6+$0x20]  }
0x10e: {  	v38 =	vor.u32 v6, v15;
	v37 =	vmul.f32 v37, v11;
	v35 =	vld.idx.msk [tilespmem:v35+s21+$0x0], $0xffff  }
0x10f: {  	[tilespmem:s23+$0xFFFFFF10] =	vst v31;
	v29 =	vadd.f32 v29, v32;
	v31 =	vor.u32 v3, v20;
	v32 =	vld [tilespmem:s15+$0xFFFFFFE0]  }
0x110: {  	v36 =	vld.idx.msk [tilespmem:v36+s21+$0x0], $0xffff;
	[tilespmem:s5+$0xFFFFFF50] =	vst v37  }
0x111: {  	v39 =	vor.u32 v6, v14;
	v37 =	vld [tilespmem:s6+$0xFFFFFFA0];
	v29 =	vmul.f32 v29, v19  }
0x112: {  	v41 =	vor.u32 v3, v17;
	v40 =	vld [tilespmem:s6+$0xFFFFFF20];
	v33 =	vadd.f32 v30, v33  }
0x113: {  	[tilespmem:s23+$0xA0] =	vst v29;
	v30 =	vld.idx.msk [tilespmem:v38+s21+$0x0], $0xffff  }
0x114: {  	v29 =	vmul.f32 v33, v18;
	v33 =	vld.idx.msk [tilespmem:v31+s21+$0x0], $0xffff;
	v31 =	vadd.f32 v32, v35;
	v32 =	vor.u32 v7, v23  }
0x115: {  	v38 =	vor.u32 v5, v12;
	v23 =	vmov v27;
	v35 =	vld [tilespmem:s6+$0xB0]  }
0x116: {  	v34 =	vadd.f32 v37, v34;
	[tilespmem:s23+$0x20] =	vst v29;
	v29 =	vmul.f32 v31, v13;
	v31 =	vld.idx.msk [tilespmem:v39+s21+$0x0], $0xffff  }
.Ltmp4:
0x117: {  	v37 =	vor.u32 v3, v23;
	v36 =	vadd.f32 v40, v36;
	v27 =	vld.idx.msk [tilespmem:v41+s21+$0x0], $0xffff;
	(pc) =	sbr.rel @p3 .LBB2_9-.Ltmp4, $4  }
0x118: {  	v39 =	vmul.f32 v34, v25;
	v34 =	vld [tilespmem:s6+$0x30];
	[tilespmem:s5+$0xFFFFFFE0] =	vst v29  }
0x119: {  	v40 =	vmul.f32 v36, v24;
	v29 =	vld.idx.msk [tilespmem:v32+s21+$0x0], $0xffff  }
0x11a: {  	v36 =	vor.u32 v3, v22;
	[tilespmem:s23+$0xFFFFFFA0] =	vst v39;
	v35 =	vadd.f32 v35, v33;
	v32 =	vld [tilespmem:s15+$0xFFFFFF60]  }
0x11b: {  	s6 =	sadd.s32 $0x200, s6;
	[tilespmem:s23+$0xFFFFFF20] =	vst v40;
	v33 =	vld.idx.msk [tilespmem:v38+s21+$0x0], $0xffff  }
0x11c: {  	_ =	sdelay $0x3  }
0x11d: {  	v16 =	vld.idx.msk [tilespmem:v37+s21+$0x0], $0xffff  }
0x11e: {  	v21 =	vld [tilespmem:s10+$0xFFFFFFB0]  }
0x11f: {  	v36 =	vld.idx.msk [tilespmem:v36+s21+$0x0], $0xffff  }
0x120: {  	v59 =	vld [tilespmem:s10+$0xFFFFFF30];
	v60 =	vor.u32 v4, v20  }
0x121: {  	v35 =	vmul.f32 v35, v19;
	v62 =	vor.u32 v4, v17;
	v27 =	vadd.f32 v34, v27;
	_ =	sdelay $0x1  }
0x122: {  	v38 =	vor.u32 v4, v23;
	[tilespmem:s23+$0xB0] =	vst v35;
	v27 =	vmul.f32 v27, v18;
	v16 =	vadd.f32 v21, v16  }
0x123: {  	v41 =	vld [tilespmem:s10+$0xC0]  }
0x124: {  	v36 =	vadd.f32 v59, v36;
	v21 =	vld.idx.msk [tilespmem:v60+s21+$0x0], $0xffff;
	[tilespmem:s23+$0x30] =	vst v27;
	v16 =	vmul.f32 v16, v25  }
0x125: {  	v61 =	vor.u32 v4, v22;
	v46 =	vld.idx.msk [tilespmem:v62+s21+$0x0], $0xffff  }
0x126: {  	v48 =	vld [tilespmem:s10+$0x40];
	v63 =	vmul.f32 v36, v24;
	[tilespmem:s23+$0xFFFFFFB0] =	vst v16  }
0x127: {  	v44 =	vadd.f32 v28, v31;
	v14 =	vor.u32 v7, v14;
	v16 =	vld.idx.msk [tilespmem:v38+s21+$0x0], $0xffff  }
0x128: {  	v42 =	vor.u32 v6, v12;
	v26 =	vadd.f32 v26, v33;
	[tilespmem:s23+$0xFFFFFF30] =	vst v63;
	v40 =	vld [tilespmem:s10+$0xFFFFFFC0]  }
0x129: {  	v49 =	vor.u32 v5, v20;
	v27 =	vmul.f32 v44, v10;
	v43 =	vld [tilespmem:s10+$0xFFFFFF40];
	v21 =	vadd.f32 v41, v21  }
0x12a: {  	v26 =	vmul.f32 v26, v9;
	v45 =	vld.idx.msk [tilespmem:v61+s21+$0x0], $0xffff  }
0x12b: {  	v37 =	vld [tilespmem:s15+$0xFFFFFFF0];
	[tilespmem:s5+$0xE0] =	vst v27;
	v31 =	vadd.f32 v48, v46;
	v21 =	vmul.f32 v21, v19  }
0x12c: {  	v47 =	vor.u32 v5, v23;
	v54 =	vor.u32 v5, v17;
	[tilespmem:s5+$0x50] =	vst v26;
	v14 =	vld.idx.msk [tilespmem:v14+s21+$0x0], $0xffff  }
0x12d: {  	v35 =	vld.idx.msk [tilespmem:v42+s21+$0x0], $0xffff;
	v31 =	vmul.f32 v31, v18;
	[tilespmem:s25+$0xC0] =	vst v21;
	v16 =	vadd.f32 v40, v16  }
0x12e: {  	v26 =	vld.idx.msk [tilespmem:v49+s21+$0x0], $0xffff  }
0x12f: {  	v50 =	vor.u32 v5, v22;
	v28 =	vadd.f32 v43, v45;
	v55 =	vld [tilespmem:s10+$0xD0];
	[tilespmem:s23+$0x40] =	vst v31;
	v16 =	vmul.f32 v16, v25  }
0x130: {  	v31 =	vld [tilespmem:s10+$0x50]  }
0x131: {  	v59 =	vld.idx.msk [tilespmem:v54+s21+$0x0], $0xffff;
	v52 =	vmul.f32 v28, v24;
	[tilespmem:s25+$0xFFFFFFC0] =	vst v16  }
0x132: {  	v56 =	vadd.f32 v32, v30;
	v51 =	vld.idx.msk [tilespmem:v47+s21+$0x0], $0xffff  }
0x133: {  	v15 =	vor.u32 v7, v15;
	[tilespmem:s25+$0xFFFFFF40] =	vst v52;
	v53 =	vld [tilespmem:s10+$0xFFFFFFD0]  }
0x134: {  	v21 =	vmul.f32 v56, v11;
	v16 =	vld.idx.msk [tilespmem:v50+s21+$0x0], $0xffff;
	v60 =	vadd.f32 v55, v26  }
0x135: {  	v62 =	vor.u32 v6, v20;
	v57 =	vld [tilespmem:s10+$0xFFFFFF50]  }
0x136: {  	v27 =	vld [tilespmem:s15+$0xF0];
	v40 =	vor.u32 v6, v17;
	[tilespmem:s5+$0xFFFFFF60] =	vst v21;
	v31 =	vadd.f32 v31, v59;
	v21 =	vmul.f32 v60, v19  }
0x137: {  	v58 =	vor.u32 v6, v23;
	v63 =	vld [tilespmem:s15+$0x60]  }
0x138: {  	v15 =	vld.idx.msk [tilespmem:v15+s21+$0x0], $0xffff;
	v43 =	vmul.f32 v31, v18;
	[tilespmem:s25+$0xD0] =	vst v21;
	v28 =	vadd.f32 v53, v51  }
0x139: {  	v36 =	vor.u32 v6, v22;
	v41 =	vld [tilespmem:s10+$0xE0]  }
0x13a: {  	v16 =	vadd.f32 v57, v16;
	v42 =	vld.idx.msk [tilespmem:v62+s21+$0x0], $0xffff;
	[tilespmem:s25+$0x50] =	vst v43;
	v61 =	vmul.f32 v28, v25  }
0x13b: {  	v49 =	vld.idx.msk [tilespmem:v40+s21+$0x0], $0xffff  }
0x13c: {  	v44 =	vadd.f32 v63, v35;
	v45 =	vor.u32 v7, v12;
	v50 =	vld [tilespmem:s10+$0x60];
	v16 =	vmul.f32 v16, v24;
	[tilespmem:s25+$0xFFFFFFD0] =	vst v61  }
0x13d: {  	v38 =	vld.idx.msk [tilespmem:v58+s21+$0x0], $0xffff  }
0x13e: {  	v47 =	vmul.f32 v44, v9;
	[tilespmem:s25+$0xFFFFFF50] =	vst v16;
	v39 =	vld [tilespmem:s10+$0xFFFFFFE0]  }
0x13f: {  	v26 =	vld.idx.msk [tilespmem:v36+s21+$0x0], $0xffff;
	v16 =	vadd.f32 v41, v42  }
0x140: {  	v52 =	vor.u32 v7, v20;
	[tilespmem:s5+$0x60] =	vst v47;
	v46 =	vld [tilespmem:s10+$0xFFFFFF60]  }
0x141: {  	v12 =	vld.idx.msk [tilespmem:v45+s21+$0x0], $0xffff;
	v57 =	vor.u32 v7, v17;
	v56 =	vadd.f32 v50, v49;
	v16 =	vmul.f32 v16, v19  }
0x142: {  	v51 =	vld [tilespmem:s15+$0xFFFFFF70]  }
0x143: {  	v48 =	vor.u32 v7, v23;
	v28 =	vld [tilespmem:s15+$0x70];
	[tilespmem:s25+$0xE0] =	vst v16;
	v16 =	vmul.f32 v56, v18;
	v21 =	vadd.f32 v39, v38  }
0x144: {  	v54 =	vor.u32 v7, v22;
	v58 =	vld [tilespmem:s10+$0xF0]  }
0x145: {  	v53 =	vadd.f32 v46, v26;
	v20 =	vld.idx.msk [tilespmem:v52+s21+$0x0], $0xffff;
	[tilespmem:s25+$0x60] =	vst v16;
	v21 =	vmul.f32 v21, v25  }
0x146: {  	v16 =	vld.idx.msk [tilespmem:v57+s21+$0x0], $0xffff  }
0x147: {  	v61 =	vld [tilespmem:s10+$0x70];
	[tilespmem:s25+$0xFFFFFFE0] =	vst v21;
	v21 =	vmul.f32 v53, v24  }
0x148: {  	v23 =	vld.idx.msk [tilespmem:v48+s21+$0x0], $0xffff  }
0x149: {  	v14 =	vadd.f32 v27, v14;
	v55 =	vld [tilespmem:s10+$0xFFFFFFF0];
	[tilespmem:s25+$0xFFFFFF60] =	vst v21  }
0x14a: {  	v59 =	vadd.f32 v37, v29;
	v21 =	vld.idx.msk [tilespmem:v54+s21+$0x0], $0xffff  }
0x14b: {  	v10 =	vmul.f32 v14, v10;
	v12 =	vadd.f32 v28, v12;
	v60 =	vld [tilespmem:s10+$0xFFFFFF70]  }
0x14c: {  	v13 =	vmul.f32 v59, v13;
	v15 =	vadd.f32 v51, v15  }
0x14d: {  	[tilespmem:s5+$0xF0] =	vst v10;
	v9 =	vmul.f32 v12, v9;
	v10 =	vadd.f32 v58, v20  }
0x14e: {  	s18 =	sadd.s32 $0x1, s18;
	[tilespmem:s5+$0xFFFFFFF0] =	vst v13;
	v11 =	vmul.f32 v15, v11;
	v62 =	vadd.f32 v55, v23  }
0x14f: {  	p3 =	sne.s32 s18, $0x5;
	[tilespmem:s5+$0x70] =	vst v9;
	v9 =	vmul.f32 v10, v19;
	v10 =	vadd.f32 v61, v16  }
.Ltmp5:
0x150: {  	[tilespmem:s5+$0xFFFFFF70] =	vst v11;
	v11 =	vmul.f32 v62, v25;
	v63 =	vadd.f32 v60, v21;
	(pc) =	sbr.rel @p3 .LBB2_8-.Ltmp5, $4  }
0x151: {  	[tilespmem:s25+$0xF0] =	vst v9;
	v9 =	vmul.f32 v10, v18  }
0x152: {  	[tilespmem:s25+$0xFFFFFFF0] =	vst v11;
	v11 =	vmul.f32 v63, v24  }
0x153: {  	[tilespmem:s25+$0x70] =	vst v9  }
0x154: {  	s29 =	sadd.s32 $0x800, s29;
	s26 =	sadd.s32 $0x800, s26;
	[tilespmem:s25+$0xFFFFFF70] =	vst v11  }
0x155: {  	s3 =	sand.u32 $0x3FFFFF80, s3  }
0x156: {  	p3 =	sne.s32 s14, $0x0;
	s3 =	sadd.s32 $0x155E8, s3  }
0x157: {  	p4 =	slt.u32 @p3 s13, $0x8;
	s5 =	simm.s32 @p3 $0x50;
	s6 =	simm.s32 @p3 $0x1D5E8  }
0x158: {  	[spmem:s1] =	stream.indirect.scatter.add.f32 @p3 [tilespmem:s6], [sflag:$0x6], $0x80, s3, s5, $0xb8;
	[tilespmem:$0x1FEE8] =	vst v63  }
0x159: {  	p4 =	por !p4, !p3  }
0x15a: {  	s5 =	sadd.s32 @!p4 $0x2, s13  }
0x15b: {  	s6 =	sshll.u32 @!p4 s5, $0x8;
	s5 =	sshll.u32 @!p4 s5, $0x7  }
0x15c: {  	s6 =	sand.u32 @!p4 $0x800, s6;
	s5 =	sand.u32 @!p4 $0x380, s5  }
0x15d: {  	s5 =	sor.u32 @!p4 s5, s6  }
0x15e: {  	s7 =	simm.s32 @!p4 $0x185E8;
	s6 =	simm.s32 @!p4 $0x50;
	s5 =	sadd.s32 @!p4 $0x145E8, s5  }
0x15f: {  	[tilespmem:s7], [sflag:$0x2] =	stream.indirect.gather @!p4 [hbm4b:s4+s6], $0x80, s5, s6, $0xb8;
	[tilespmem:$0x1FEE8] =	vst v63  }
0x160: {  	s7 =	simm.s32 @!p4 $0x1FE68  }
0x161: {  	[tilespmem:s7], [sflag:$0x4] =	stream.indirect.gather @!p4 [spmem:s2], $0x1, s5, s6, $0xb8;
	[tilespmem:$0x1FEE8] =	vst v63  }
0x162: {  	p4 =	slt.u32 @!p3 s13, $0x8;
	s5 =	simm.s32 @!p3 $0x50;
	s6 =	simm.s32 @!p3 $0x1ADE8  }
0x163: {  	[spmem:s1] =	stream.indirect.scatter.add.f32 @!p3 [tilespmem:s6], [sflag:$0x5], $0x80, s3, s5, $0xb8;
	[tilespmem:$0x1FEE8] =	vst v63  }
0x164: {  	p3 =	por !p4, p3  }
0x165: {  	s3 =	sadd.s32 @!p3 $0x2, s13  }
0x166: {  	s5 =	sshll.u32 @!p3 s3, $0x8;
	s3 =	sshll.u32 @!p3 s3, $0x7  }
0x167: {  	s5 =	sand.u32 @!p3 $0x800, s5;
	s3 =	sand.u32 @!p3 $0x300, s3  }
0x168: {  	s3 =	sor.u32 @!p3 s3, s5  }
0x169: {  	s6 =	simm.s32 @!p3 $0x15DE8;
	s5 =	simm.s32 @!p3 $0x50;
	s3 =	sadd.s32 @!p3 $0x145E8, s3  }
0x16a: {  	[tilespmem:s6], [sflag:$0x1] =	stream.indirect.gather @!p3 [hbm4b:s4+s5], $0x80, s3, s5, $0xb8;
	[tilespmem:$0x1FEE8] =	vst v63  }
0x16b: {  	s13 =	sadd.s32 $0x1, s13;
	s6 =	simm.s32 @!p3 $0x1FDE8  }
0x16c: {  	[tilespmem:s6], [sflag:$0x3] =	stream.indirect.gather @!p3 [spmem:s2], $0x1, s3, s5, $0xb8;
	[tilespmem:$0x1FEE8] =	vst v63  }
0x16d: {  	p3 =	sne.s32 s13, $0xA  }
.Ltmp6:
0x16e: {  	_ = 	snop;
	(pc) =	sbr.rel @p3 .LBB2_3-.Ltmp6, $2  }
0x16f: {  	_ =	sdelay $0x2  }
0x170: {  	p2 =	por !p2, !p2  }
0x171: {  	s11 =	sadd.s32 $0x1, s11  }
0x172: {  	p2 =	sne.s32 s11, $0x19  }
.Ltmp7:
0x173: {  	_ = 	snop;
	(pc) =	sbr.rel @p2 .LBB2_2-.Ltmp7, $1  }
0x174: {  	_ =	sdelay $0x3  }
0x175: {  	s3 =	simm.s32 $0x5  }
0x176: {  	_ =	swait.ge [sflag:s3], $0x2800  }
0x177: {  	[sflag:s3] =	ssyncset.done $0x0  }
0x178: {  	s29 =	simm.s32 $0x6;
	[sflag:s3] =	ssyncadd.s32 $0xFFFFD800  }
0x179: {  	_ =	swait.ge [sflag:s29], $0x2800  }
0x17a: {  	[sflag:s29] =	ssyncset.done $0x0  }
0x17b: {  	[sflag:s29] =	ssyncadd.s32 $0xFFFFD800  }
0x17c: {  	[bflag:$0x0] =	sbarrier.arrive $0xFFFF  }
0x17d: {  	s5 =	rddreg [dreg:$0xe]  }
0x17e: {  	s3 =	simm.s32 @p1 $0x1FC7;
	s6 =	rddreg [dreg:$0x10]  }
0x17f: {  	[hbm:s5], [sflag:s3] =	dma.local @p1 [spmem:s6], $0x1900  }
0x180: {  	s3 =	simm.s32 @p1 $0x7  }
0x181: {  	_ =	swait.ge @p1 [sflag:s3], $0x1900  }
0x182: {  	s7 =	rddreg [dreg:$0x11]  }
0x183: {  	[sflag:s3] =	ssyncset.done @p1 $0x0;
	s10 =	rddreg [dreg:$0x12]  }
0x184: {  	[sflag:s3] =	ssyncadd.s32 @p1 $0xFFFFE700;
	s3 =	rddreg [dreg:$0xd]  }
0x185: {  	[hbm:s3], [sflag:s7] =	dma.local @!p1 [spmem:s10], $0x2800  }
0x186: {  	s3 =	simm.s32 @!p1 $0x7  }
0x187: {  	_ =	swait.ge @!p1 [sflag:s3], $0x2800  }
0x188: {  	s11 =	rddreg [dreg:$0x13]  }
0x189: {  	s30 =	rddreg [dreg:$0xf];
	s11 =	sadd.s32 $0x1, s11  }
0x18a: {  	p2 =	sne.s32 s11, s30  }
.Ltmp8:
0x18b: {  	_ = 	snop;
	(pc) =	sbr.rel @p2 .LBB2_1-.Ltmp8, $3  }
0x18c: {  	_ =	sdelay $0x1  }
0x18d: {  	[sflag:s3] =	ssyncset.done @!p1 $0x0  }
0x18e: {  	[sflag:s3] =	ssyncadd.s32 @!p1 $0xFFFFD800  }
0x18f: {  	_ =	sfence.sel $0x180000  }
0x190: {  	[bflag:$0x0] =	sbarrier.arrive $0xFFFF  }
0x191: {  	_ =	strace $0x90000047  }
0x192: {  	[bflag:$0x2] =	sbarrier.arrive $0xFFFF  }
0x193: {  	s0 =	rddreg [dreg:$0x4]  }
0x194: {  	s0 =	sadd.s32 @!p0 $0x100000, s0  }
0x195: {  	[sflag:s0] =	ssyncadd.tile.s32 @!p0 $0x1;
	_ =	shalt  }
.Lfunc_end2:
_tile_overlayer_lowered:
.L_overlay_start_2:
0x196: {  	(tag) =	ssettag $0x2  }
0x197: {  	s0 =	rddreg [dreg:$0x0];
	s2 =	stileid.u32  }
0x198: {  	s1 =	rddreg [dreg:$0x1];
	p0 =	sne.s32 s2, $0x0  }
0x199: {  	s3 =	rddreg [dreg:$0x2];
	[bflag:$0x3] =	sbarrier.arrive $0xFFFF;
	s2 =	simm.s32 @!p0 $0x1C07  }
0x19a: {  	[timem:s3], [sflag:s2] =	dma.local @!p0 [hbm:s0], s1  }
0x19b: {  	s0 =	simm.s32 @!p0 $0x7  }
0x19c: {  	_ =	swait.ge @!p0 [sflag:s0], s1  }
0x19d: {  	s1 =	ssub.s32 @!p0 $0x0, s1;
	[sflag:s0] =	ssyncset.done @!p0 $0x0  }
0x19e: {  	[sflag:s0] =	ssyncadd.s32 @!p0 s1  }
0x19f: {  	[bflag:$0x3] =	sbarrier.arrive $0xFFFF  }
0x1a0: {  	_ =	shalt  }

</sc_bundles>
